<compile_context>
chip_gen: v7x
topology: tpu7x:2x2x1
jax: 0.10.2.dev20260603
libtpu: 0.0.44.dev20260713+nightly
codegen_flags: <defaults>
</compile_context>

<pallas_src>
import jax
import jax.numpy as jnp
from jax.experimental import pallas as pl
from jax.experimental.pallas import tpu as pltpu
from jax.experimental.pallas import tpu_sc as plsc

_B, _T, _V = 1024, 50, 1000
_VP = 1024
_N = _B * _T
_W = 40

_MESH = plsc.VectorSubcoreMesh(core_axis_name="c", subcore_axis_name="s")


def kernel(idx, table):
    tab_pad = jnp.pad(table, ((0, 0), (0, _VP - _V)))
    idx3 = idx.reshape(_N // _W, 1, _W)

    @pl.kernel(
        out_type=jax.ShapeDtypeStruct((_N, _VP), table.dtype),
        mesh=_MESH,
    )
    def _gather(table_hbm, idx_hbm, out_hbm):
        def body(idx_vmem, out_vmem):
            pltpu.sync_copy(table_hbm.at[idx_vmem.at[0, 0]], out_vmem)

        pltpu.emit_pipeline(
            body,
            grid=(_N // _W,),
            in_specs=[pl.BlockSpec((1, 1, _W), lambda i: (i, 0, 0))],
            out_specs=[pl.BlockSpec((_W, _VP), lambda i: (i, 0))],
            core_axis_name=("c", "s"),
            dimension_semantics=(pltpu.PARALLEL,),
        )(idx_hbm, out_hbm)

    padded = _gather(tab_pad, idx3)
    return padded[:, :_V].reshape(_B, _T, _V)

# --- scband reference (transcript-rebuilt; emitter-appended) ---
"""Pipeline reference for scband-bigram-language-model-87411174409038 (READ-ONLY COPY).

The authoritative reference and input builder live on the scoring server;
editing this copy changes nothing except your own understanding.
"""

import jax, jax.numpy as jnp
import numpy as np

CHARSET = 1000
B, T = 1024, 50


def setup_inputs(seed: int = 0) -> dict:
    key = jax.random.key(seed)
    k_idx, k_tab = jax.random.split(key)
    idx = jax.random.randint(k_idx, (B, T), 0, CHARSET, dtype=jnp.int32)
    table = jax.random.normal(k_tab, (CHARSET, CHARSET), dtype=jnp.float32)
    return {"idx": idx, "table": table}


def reference(idx, table):
    # BigramLanguageModel.forward with target=None:
    # logits = self.token_embedding_table(idx) -> gather rows of [V, V] table
    logits = jnp.take(table, idx, axis=0)  # [B, T, V]
    return logits

if __name__ == "__main__":
    import jax
    _d = setup_inputs()
    print(jax.jit(kernel)(*tuple(_d.values())))

</pallas_src>

<mosaic_0001>
#map = affine_map<(d0, d1) -> (0, 0)>
#map1 = affine_map<(d0, d1) -> (0, 0, 0)>
module attributes {stable_mosaic.version = 14 : i64} {
  func.func @_gather(%arg0: i32, %arg1: i32, %arg2: memref<1000x1024xf32, #tpu.memory_space<hbm>>, %arg3: memref<1280x1x40xi32, #tpu.memory_space<hbm>>, %arg4: memref<51200x1024xf32, #tpu.memory_space<hbm>>) attributes {dimension_semantics = [#tpu.dimension_semantics<core_parallel>, #tpu.dimension_semantics<subcore_parallel>], iteration_bounds = array<i64: 2, 16>, scalar_prefetch = 0 : i64, scratch_operands = 0 : i64, tpu.core_type = #tpu.core_type<sc_vector_subcore>, window_params = [{transform_indices = #map}, {transform_indices = #map1}, {transform_indices = #map}]} {
    %mul3A = arith.constant 1 : i32
    %mul3A_0 = arith.muli %arg1, %mul3A : i32
    %add3A = arith.constant 0 : i32
    %add3A_1 = arith.addi %add3A, %mul3A_0 : i32
    %mul3A_2 = arith.constant 16 : i32
    %mul3A_3 = arith.muli %arg0, %mul3A_2 : i32
    %add3A_4 = arith.addi %add3A_1, %mul3A_3 : i32
    %mul3A_5 = arith.constant 40 : i32
    %mul3A_6 = arith.muli %add3A_4, %mul3A_5 : i32
    "tpu.region"() ({
      %run_scoped3A = memref.alloca() : memref<2x1x1x40xi32, #tpu.memory_space<vmem>>
      %run_scoped3A_7 = tpu.sem_alloc : memref<2x!tpu.dma_semaphore, #tpu.memory_space<semaphore_mem>>
      %run_scoped3A_8 = memref.alloca() : memref<2x40x1024xf32, #tpu.memory_space<vmem>>
      %run_scoped3A_9 = tpu.sem_alloc : memref<2x!tpu.dma_semaphore, #tpu.memory_space<semaphore_mem>>
      %add3A_10 = arith.constant 0 : i32
      %add3A_11 = arith.addi %add3A_10, %mul3A_6 : i32
      %select_n3A = arith.constant true
      %select_n3A_12 = arith.constant 0 : i32
      %select_n3A_13 = arith.constant -1 : i32
      %select_n3A_14 = arith.select %select_n3A, %select_n3A_13, %select_n3A_12 : i32
      %eq3A = arith.constant -1 : i32
      %eq3A_15 = arith.cmpi eq, %select_n3A_14, %eq3A : i32
      %select_n3A_16 = arith.constant 39 : i32
      %select_n3A_17 = arith.select %eq3A_15, %select_n3A_16, %select_n3A_14 : i32
      %add3A_18 = arith.addi %select_n3A_17, %mul3A_6 : i32
      %select_n3A_19 = arith.constant true
      %select_n3A_20 = arith.constant 0 : i32
      %select_n3A_21 = arith.constant 1 : i32
      %select_n3A_22 = arith.select %select_n3A_19, %select_n3A_21, %select_n3A_20 : i32
      %eq3A_23 = arith.constant 40 : i32
      %eq3A_24 = arith.cmpi eq, %select_n3A_22, %eq3A_23 : i32
      %select_n3A_25 = arith.constant 0 : i32
      %select_n3A_26 = arith.select %eq3A_24, %select_n3A_25, %select_n3A_22 : i32
      %add3A_27 = arith.addi %select_n3A_26, %mul3A_6 : i32
      %add3A_28 = arith.constant 1 : i32
      %add3A_29 = arith.addi %select_n3A_26, %add3A_28 : i32
      %select_n3A_30 = arith.constant true
      %select_n3A_31 = arith.select %select_n3A_30, %add3A_29, %select_n3A_26 : i32
      %eq3A_32 = arith.constant 40 : i32
      %eq3A_33 = arith.cmpi eq, %select_n3A_31, %eq3A_32 : i32
      %select_n3A_34 = arith.constant 0 : i32
      %select_n3A_35 = arith.select %eq3A_33, %select_n3A_34, %select_n3A_31 : i32
      %add3A_36 = arith.addi %select_n3A_35, %mul3A_6 : i32
      "tpu.trace_start"() <{level = 10 : i32, message = "ep_initialize_0"}> : () -> ()
      %rem3A = arith.constant 0 : i32
      %rem3A_37 = arith.constant 2 : i32
      %rem3A_38 = arith.remui %rem3A, %rem3A_37 : i32
      %mul3A_39 = arith.constant 1 : i32
      %mul3A_40 = arith.muli %mul3A_39, %add3A_11 : i32
      %dma_start3A = arith.constant 0 : i32
      %dma_start3A_41 = arith.constant 0 : i32
      %dma_start3A_42 = arith.constant 0 : i32
      %dma_start3A_43 = tpu.memref_slice %run_scoped3A[%rem3A_38, %dma_start3A, %dma_start3A_41, %dma_start3A_42] : memref<2x1x1x40xi32, #tpu.memory_space<vmem>> -> memref<1x1x1x40xi32, #tpu.memory_space<vmem>>
      %dma_start3A_44 = tpu.memref_squeeze %dma_start3A_43 : memref<1x1x1x40xi32, #tpu.memory_space<vmem>> -> memref<1x1x40xi32, #tpu.memory_space<vmem>>
      %dma_start3A_45 = arith.constant 0 : i32
      %dma_start3A_46 = arith.constant 0 : i32
      %dma_start3A_47 = tpu.memref_slice %arg3[%mul3A_40, %dma_start3A_45, %dma_start3A_46] : memref<1280x1x40xi32, #tpu.memory_space<hbm>> -> memref<1x1x40xi32, #tpu.memory_space<hbm>>
      %dma_start3A_48 = tpu.memref_slice %run_scoped3A_7[%rem3A_38] : memref<2x!tpu.dma_semaphore, #tpu.memory_space<semaphore_mem>> -> memref<1x!tpu.dma_semaphore, #tpu.memory_space<semaphore_mem>>
      %dma_start3A_49 = tpu.memref_squeeze %dma_start3A_48 : memref<1x!tpu.dma_semaphore, #tpu.memory_space<semaphore_mem>> -> memref<!tpu.dma_semaphore, #tpu.memory_space<semaphore_mem>>
      %dma_start3A_50 = arith.constant 0 : i32
      %dma_start3A_51 = arith.constant 0 : i32
      %dma_start3A_52 = arith.constant 0 : i32
      %dma_start3A_53 = tpu.memref_slice %run_scoped3A[%rem3A_38, %dma_start3A_50, %dma_start3A_51, %dma_start3A_52] : memref<2x1x1x40xi32, #tpu.memory_space<vmem>> -> memref<1x1x1x40xi32, #tpu.memory_space<vmem>>
      %dma_start3A_54 = tpu.memref_squeeze %dma_start3A_53 : memref<1x1x1x40xi32, #tpu.memory_space<vmem>> -> memref<1x1x40xi32, #tpu.memory_space<vmem>>
      %dma_start3A_55 = arith.constant 0 : i32
      %dma_start3A_56 = arith.constant 0 : i32
      %dma_start3A_57 = tpu.memref_slice %arg3[%mul3A_40, %dma_start3A_55, %dma_start3A_56] : memref<1280x1x40xi32, #tpu.memory_space<hbm>> -> memref<1x1x40xi32, #tpu.memory_space<hbm>>
      tpu.enqueue_dma source(%dma_start3A_57 : memref<1x1x40xi32, #tpu.memory_space<hbm>>) target(%dma_start3A_54 : memref<1x1x40xi32, #tpu.memory_space<vmem>>) target_semaphore(%dma_start3A_49 : memref<!tpu.dma_semaphore, #tpu.memory_space<semaphore_mem>>)
      %add3A_58 = arith.constant 0 : i32
      %add3A_59 = arith.constant 1 : i32
      %add3A_60 = arith.addi %add3A_58, %add3A_59 : i32
      %select_n3A_61 = arith.constant true
      %select_n3A_62 = arith.constant 0 : i32
      %select_n3A_63 = arith.select %select_n3A_61, %add3A_60, %select_n3A_62 : i32
      "tpu.trace_stop"() : () -> ()
      %scan3A = arith.constant 0 : i32
      %scan3A_64 = arith.constant 0 : i32
      %scan3A_65 = arith.constant 0 : i32
      %scan3A_66 = arith.constant 0 : i32
      %scan3A_67 = arith.constant 0 : i32
      %scan3A_68 = arith.constant 40 : i32
      %scan3A_69 = arith.addi %scan3A_67, %scan3A_68 : i32
      %scan3A_70 = arith.constant 1 : i32
      %scan3A_71:5 = scf.for %scan3A_125 = %scan3A_67 to %scan3A_69 step %scan3A_70 iter_args(%scan3A_126 = %select_n3A_63, %scan3A_127 = %scan3A, %scan3A_128 = %scan3A_64, %scan3A_129 = %scan3A_65, %scan3A_130 = %scan3A_66) -> (i32, i32, i32, i32, i32)  : i32 {
        %eq3A_131 = arith.constant 0 : i32
        %eq3A_132 = arith.cmpi eq, %scan3A_125, %eq3A_131 : i32
        %eq3A_133 = arith.constant 39 : i32
        %eq3A_134 = arith.cmpi eq, %scan3A_125, %eq3A_133 : i32
        %add3A_135 = arith.addi %scan3A_130, %mul3A_6 : i32
        %sub3A_136 = arith.constant 1 : i32
        %sub3A_137 = arith.subi %scan3A_130, %sub3A_136 : i32
        %select_n3A_138 = arith.constant true
        %select_n3A_139 = arith.select %select_n3A_138, %sub3A_137, %scan3A_130 : i32
        %eq3A_140 = arith.constant -1 : i32
        %eq3A_141 = arith.cmpi eq, %select_n3A_139, %eq3A_140 : i32
        %select_n3A_142 = arith.constant 39 : i32
        %select_n3A_143 = arith.select %eq3A_141, %select_n3A_142, %select_n3A_139 : i32
        %add3A_144 = arith.addi %select_n3A_143, %mul3A_6 : i32
        %add3A_145 = arith.constant 1 : i32
        %add3A_146 = arith.addi %scan3A_130, %add3A_145 : i32
        %select_n3A_147 = arith.constant true
        %select_n3A_148 = arith.select %select_n3A_147, %add3A_146, %scan3A_130 : i32
        %eq3A_149 = arith.constant 40 : i32
        %eq3A_150 = arith.cmpi eq, %select_n3A_148, %eq3A_149 : i32
        %select_n3A_151 = arith.constant 0 : i32
        %select_n3A_152 = arith.select %eq3A_150, %select_n3A_151, %select_n3A_148 : i32
        %add3A_153 = arith.addi %select_n3A_152, %mul3A_6 : i32
        %add3A_154 = arith.constant 1 : i32
        %add3A_155 = arith.addi %select_n3A_152, %add3A_154 : i32
        %select_n3A_156 = arith.constant true
        %select_n3A_157 = arith.select %select_n3A_156, %add3A_155, %select_n3A_152 : i32
        %eq3A_158 = arith.constant 40 : i32
        %eq3A_159 = arith.cmpi eq, %select_n3A_157, %eq3A_158 : i32
        %select_n3A_160 = arith.constant 0 : i32
        %select_n3A_161 = arith.select %eq3A_159, %select_n3A_160, %select_n3A_157 : i32
        %add3A_162 = arith.addi %select_n3A_161, %mul3A_6 : i32
        %ne3A = arith.cmpi ne, %add3A_135, %add3A_153 : i32
        %or3A = arith.constant false
        %or3A_163 = arith.ori %or3A, %ne3A : i1
        %or3A_164 = arith.constant false
        %or3A_165 = arith.ori %or3A_163, %or3A_164 : i1
        %or3A_166 = arith.constant false
        %or3A_167 = arith.ori %or3A_165, %or3A_166 : i1
        %ge3A = arith.constant 39 : i32
        %ge3A_168 = arith.cmpi sge, %scan3A_125, %ge3A : i32
        %not3A = arith.constant true
        %not3A_169 = arith.xori %ge3A_168, %not3A : i1
        %and3A = arith.andi %or3A_167, %not3A_169 : i1
        %convert_element_type3A = arith.extui %and3A : i1 to i32
        %cond3A = arith.constant 0 : i32
        %cond3A_170 = arith.cmpi ne, %convert_element_type3A, %cond3A : i32
        scf.if %cond3A_170 {
          "tpu.trace_start"() <{level = 10 : i32, message = "ep_copy_in"}> : () -> ()
          %rem3A_289 = arith.constant 2 : i32
          %rem3A_290 = arith.remui %scan3A_126, %rem3A_289 : i32
          %mul3A_291 = arith.constant 1 : i32
          %mul3A_292 = arith.muli %mul3A_291, %add3A_153 : i32
          %dma_start3A_293 = arith.constant 0 : i32
          %dma_start3A_294 = arith.constant 0 : i32
          %dma_start3A_295 = arith.constant 0 : i32
          %dma_start3A_296 = tpu.memref_slice %run_scoped3A[%rem3A_290, %dma_start3A_293, %dma_start3A_294, %dma_start3A_295] : memref<2x1x1x40xi32, #tpu.memory_space<vmem>> -> memref<1x1x1x40xi32, #tpu.memory_space<vmem>>
          %dma_start3A_297 = tpu.memref_squeeze %dma_start3A_296 : memref<1x1x1x40xi32, #tpu.memory_space<vmem>> -> memref<1x1x40xi32, #tpu.memory_space<vmem>>
          %dma_start3A_298 = arith.constant 0 : i32
          %dma_start3A_299 = arith.constant 0 : i32
          %dma_start3A_300 = tpu.memref_slice %arg3[%mul3A_292, %dma_start3A_298, %dma_start3A_299] : memref<1280x1x40xi32, #tpu.memory_space<hbm>> -> memref<1x1x40xi32, #tpu.memory_space<hbm>>
          %dma_start3A_301 = tpu.memref_slice %run_scoped3A_7[%rem3A_290] : memref<2x!tpu.dma_semaphore, #tpu.memory_space<semaphore_mem>> -> memref<1x!tpu.dma_semaphore, #tpu.memory_space<semaphore_mem>>
          %dma_start3A_302 = tpu.memref_squeeze %dma_start3A_301 : memref<1x!tpu.dma_semaphore, #tpu.memory_space<semaphore_mem>> -> memref<!tpu.dma_semaphore, #tpu.memory_space<semaphore_mem>>
          %dma_start3A_303 = arith.constant 0 : i32
          %dma_start3A_304 = arith.constant 0 : i32
          %dma_start3A_305 = arith.constant 0 : i32
          %dma_start3A_306 = tpu.memref_slice %run_scoped3A[%rem3A_290, %dma_start3A_303, %dma_start3A_304, %dma_start3A_305] : memref<2x1x1x40xi32, #tpu.memory_space<vmem>> -> memref<1x1x1x40xi32, #tpu.memory_space<vmem>>
          %dma_start3A_307 = tpu.memref_squeeze %dma_start3A_306 : memref<1x1x1x40xi32, #tpu.memory_space<vmem>> -> memref<1x1x40xi32, #tpu.memory_space<vmem>>
          %dma_start3A_308 = arith.constant 0 : i32
          %dma_start3A_309 = arith.constant 0 : i32
          %dma_start3A_310 = tpu.memref_slice %arg3[%mul3A_292, %dma_start3A_308, %dma_start3A_309] : memref<1280x1x40xi32, #tpu.memory_space<hbm>> -> memref<1x1x40xi32, #tpu.memory_space<hbm>>
          tpu.enqueue_dma source(%dma_start3A_310 : memref<1x1x40xi32, #tpu.memory_space<hbm>>) target(%dma_start3A_307 : memref<1x1x40xi32, #tpu.memory_space<vmem>>) target_semaphore(%dma_start3A_302 : memref<!tpu.dma_semaphore, #tpu.memory_space<semaphore_mem>>)
          "tpu.trace_stop"() : () -> ()
        } else {
        }
        %and3A_171 = arith.constant true
        %and3A_172 = arith.andi %and3A, %and3A_171 : i1
        %add3A_173 = arith.constant 1 : i32
        %add3A_174 = arith.addi %scan3A_126, %add3A_173 : i32
        %select_n3A_175 = arith.select %and3A_172, %add3A_174, %scan3A_126 : i32
        %ne3A_176 = arith.cmpi ne, %add3A_135, %add3A_153 : i32
        %or3A_177 = arith.constant false
        %or3A_178 = arith.ori %or3A_177, %ne3A_176 : i1
        %or3A_179 = arith.constant false
        %or3A_180 = arith.ori %or3A_178, %or3A_179 : i1
        %ge3A_181 = arith.constant 39 : i32
        %ge3A_182 = arith.cmpi sge, %scan3A_125, %ge3A_181 : i32
        %not3A_183 = arith.constant true
        %not3A_184 = arith.xori %ge3A_182, %not3A_183 : i1
        %and3A_185 = arith.andi %or3A_180, %not3A_184 : i1
        %ne3A_186 = arith.cmpi ne, %add3A_135, %add3A_144 : i32
        %or3A_187 = arith.constant false
        %or3A_188 = arith.ori %or3A_187, %ne3A_186 : i1
        %or3A_189 = arith.constant false
        %or3A_190 = arith.ori %or3A_188, %or3A_189 : i1
        %or3A_191 = arith.constant false
        %or3A_192 = arith.ori %or3A_190, %or3A_191 : i1
        %or3A_193 = arith.ori %or3A_192, %eq3A_132 : i1
        %convert_element_type3A_194 = arith.extui %or3A_193 : i1 to i32
        %cond3A_195 = arith.constant 0 : i32
        %cond3A_196 = arith.cmpi ne, %convert_element_type3A_194, %cond3A_195 : i32
        scf.if %cond3A_196 {
          "tpu.trace_start"() <{level = 10 : i32, message = "ep_wait_in"}> : () -> ()
          %mul3A_289 = arith.constant 1 : i32
          %mul3A_290 = arith.muli %mul3A_289, %add3A_135 : i32
          %rem3A_291 = arith.constant 2 : i32
          %rem3A_292 = arith.remui %scan3A_127, %rem3A_291 : i32
          %dma_wait3A_293 = arith.constant 0 : i32
          %dma_wait3A_294 = arith.constant 0 : i32
          %dma_wait3A_295 = arith.constant 0 : i32
          %dma_wait3A_296 = tpu.memref_slice %run_scoped3A[%rem3A_292, %dma_wait3A_293, %dma_wait3A_294, %dma_wait3A_295] : memref<2x1x1x40xi32, #tpu.memory_space<vmem>> -> memref<1x1x1x40xi32, #tpu.memory_space<vmem>>
          %dma_wait3A_297 = tpu.memref_squeeze %dma_wait3A_296 : memref<1x1x1x40xi32, #tpu.memory_space<vmem>> -> memref<1x1x40xi32, #tpu.memory_space<vmem>>
          %dma_wait3A_298 = arith.constant 0 : i32
          %dma_wait3A_299 = arith.constant 0 : i32
          %dma_wait3A_300 = tpu.memref_slice %arg3[%mul3A_290, %dma_wait3A_298, %dma_wait3A_299] : memref<1280x1x40xi32, #tpu.memory_space<hbm>> -> memref<1x1x40xi32, #tpu.memory_space<hbm>>
          %dma_wait3A_301 = tpu.memref_slice %run_scoped3A_7[%rem3A_292] : memref<2x!tpu.dma_semaphore, #tpu.memory_space<semaphore_mem>> -> memref<1x!tpu.dma_semaphore, #tpu.memory_space<semaphore_mem>>
          %dma_wait3A_302 = tpu.memref_squeeze %dma_wait3A_301 : memref<1x!tpu.dma_semaphore, #tpu.memory_space<semaphore_mem>> -> memref<!tpu.dma_semaphore, #tpu.memory_space<semaphore_mem>>
          %dma_wait3A_303 = arith.constant 0 : i32
          %dma_wait3A_304 = arith.constant 0 : i32
          %dma_wait3A_305 = arith.constant 0 : i32
          %dma_wait3A_306 = tpu.memref_slice %run_scoped3A[%rem3A_292, %dma_wait3A_303, %dma_wait3A_304, %dma_wait3A_305] : memref<2x1x1x40xi32, #tpu.memory_space<vmem>> -> memref<1x1x1x40xi32, #tpu.memory_space<vmem>>
          %dma_wait3A_307 = tpu.memref_squeeze %dma_wait3A_306 : memref<1x1x1x40xi32, #tpu.memory_space<vmem>> -> memref<1x1x40xi32, #tpu.memory_space<vmem>>
          %dma_wait3A_308 = arith.constant 0 : i32
          %dma_wait3A_309 = arith.constant 0 : i32
          %dma_wait3A_310 = tpu.memref_slice %arg3[%mul3A_290, %dma_wait3A_308, %dma_wait3A_309] : memref<1280x1x40xi32, #tpu.memory_space<hbm>> -> memref<1x1x40xi32, #tpu.memory_space<hbm>>
          tpu.wait_dma2 semaphore(%dma_wait3A_302 : memref<!tpu.dma_semaphore, #tpu.memory_space<semaphore_mem>>) src(%dma_wait3A_310 : memref<1x1x40xi32, #tpu.memory_space<hbm>>) dst(%dma_wait3A_307 : memref<1x1x40xi32, #tpu.memory_space<vmem>>)
          "tpu.trace_stop"() : () -> ()
        } else {
        }
        %ne3A_197 = arith.cmpi ne, %add3A_135, %add3A_144 : i32
        %or3A_198 = arith.constant false
        %or3A_199 = arith.ori %or3A_198, %ne3A_197 : i1
        %or3A_200 = arith.constant false
        %or3A_201 = arith.ori %or3A_199, %or3A_200 : i1
        %or3A_202 = arith.ori %or3A_201, %eq3A_132 : i1
        %convert_element_type3A_203 = arith.extui %or3A_202 : i1 to i32
        %cond3A_204 = arith.constant 0 : i32
        %cond3A_205 = arith.cmpi ne, %convert_element_type3A_203, %cond3A_204 : i32
        scf.if %cond3A_205 {
        } else {
        }
        %rem3A_206 = arith.constant 2 : i32
        %rem3A_207 = arith.remui %scan3A_127, %rem3A_206 : i32
        %rem3A_208 = arith.constant 2 : i32
        %rem3A_209 = arith.remui %scan3A_128, %rem3A_208 : i32
        %run_scoped3A_210 = arith.constant 0 : i32
        %run_scoped3A_211 = arith.constant 0 : i32
        "tpu.trace_start"() <{level = 10 : i32, message = "ep_run_kernel"}> : () -> ()
        "tpu.region"() ({
          %run_scoped3A_289 = tpu.sem_alloc : memref<!tpu.dma_semaphore, #tpu.memory_space<semaphore_mem>>
          %dma_start3A_290 = arith.constant 0 : i32
          %dma_start3A_291 = arith.constant 0 : i32
          %dma_start3A_292 = tpu.memref_slice %run_scoped3A_8[%rem3A_209, %dma_start3A_290, %dma_start3A_291] : memref<2x40x1024xf32, #tpu.memory_space<vmem>> -> memref<1x40x1024xf32, #tpu.memory_space<vmem>>
          %dma_start3A_293 = tpu.memref_squeeze %dma_start3A_292 : memref<1x40x1024xf32, #tpu.memory_space<vmem>> -> memref<40x1024xf32, #tpu.memory_space<vmem>>
          %dma_start3A_294 = arith.constant 0 : i32
          %dma_start3A_295 = arith.constant 0 : i32
          %dma_start3A_296 = arith.constant 0 : i32
          %dma_start3A_297 = tpu.memref_slice %run_scoped3A[%rem3A_207, %dma_start3A_294, %dma_start3A_295, %dma_start3A_296] : memref<2x1x1x40xi32, #tpu.memory_space<vmem>> -> memref<1x1x1x40xi32, #tpu.memory_space<vmem>>
          %dma_start3A_298 = tpu.memref_squeeze %dma_start3A_297 : memref<1x1x1x40xi32, #tpu.memory_space<vmem>> -> memref<1x1x40xi32, #tpu.memory_space<vmem>>
          %dma_start3A_299 = arith.constant 0 : i32
          %dma_start3A_300 = tpu.memref_slice %dma_start3A_298[%run_scoped3A_210, %run_scoped3A_211, %dma_start3A_299] : memref<1x1x40xi32, #tpu.memory_space<vmem>> -> memref<1x1x40xi32, #tpu.memory_space<vmem>>
          %dma_start3A_301 = tpu.memref_squeeze %dma_start3A_300 : memref<1x1x40xi32, #tpu.memory_space<vmem>> -> memref<40xi32, #tpu.memory_space<vmem>>
          %dma_start3A_302 = arith.constant 0 : i32
          %dma_start3A_303 = arith.constant 0 : i32
          %dma_start3A_304 = tpu.memref_slice %arg2[%dma_start3A_302, %dma_start3A_303] : memref<1000x1024xf32, #tpu.memory_space<hbm>> -> memref<1000x1024xf32, #tpu.memory_space<hbm>>
          tpu.enqueue_indirect_dma source(%dma_start3A_304 : memref<1000x1024xf32, #tpu.memory_space<hbm>>) target(%dma_start3A_293 : memref<40x1024xf32, #tpu.memory_space<vmem>>) offsets(%dma_start3A_301 : memref<40xi32, #tpu.memory_space<vmem>>) semaphore(%run_scoped3A_289 : memref<!tpu.dma_semaphore, #tpu.memory_space<semaphore_mem>>)
          %dma_wait3A_305 = arith.constant 0 : i32
          %dma_wait3A_306 = arith.constant 0 : i32
          %dma_wait3A_307 = tpu.memref_slice %run_scoped3A_8[%rem3A_209, %dma_wait3A_305, %dma_wait3A_306] : memref<2x40x1024xf32, #tpu.memory_space<vmem>> -> memref<1x40x1024xf32, #tpu.memory_space<vmem>>
          %dma_wait3A_308 = tpu.memref_squeeze %dma_wait3A_307 : memref<1x40x1024xf32, #tpu.memory_space<vmem>> -> memref<40x1024xf32, #tpu.memory_space<vmem>>
          %dma_wait3A_309 = arith.constant 0 : i32
          %dma_wait3A_310 = arith.constant 0 : i32
          %dma_wait3A_311 = arith.constant 0 : i32
          %dma_wait3A_312 = tpu.memref_slice %run_scoped3A[%rem3A_207, %dma_wait3A_309, %dma_wait3A_310, %dma_wait3A_311] : memref<2x1x1x40xi32, #tpu.memory_space<vmem>> -> memref<1x1x1x40xi32, #tpu.memory_space<vmem>>
          %dma_wait3A_313 = tpu.memref_squeeze %dma_wait3A_312 : memref<1x1x1x40xi32, #tpu.memory_space<vmem>> -> memref<1x1x40xi32, #tpu.memory_space<vmem>>
          %dma_wait3A_314 = arith.constant 0 : i32
          %dma_wait3A_315 = tpu.memref_slice %dma_wait3A_313[%run_scoped3A_210, %run_scoped3A_211, %dma_wait3A_314] : memref<1x1x40xi32, #tpu.memory_space<vmem>> -> memref<1x1x40xi32, #tpu.memory_space<vmem>>
          %dma_wait3A_316 = tpu.memref_squeeze %dma_wait3A_315 : memref<1x1x40xi32, #tpu.memory_space<vmem>> -> memref<40xi32, #tpu.memory_space<vmem>>
          %dma_wait3A_317 = arith.constant 0 : i32
          %dma_wait3A_318 = arith.constant 0 : i32
          %dma_wait3A_319 = tpu.memref_slice %arg2[%dma_wait3A_317, %dma_wait3A_318] : memref<1000x1024xf32, #tpu.memory_space<hbm>> -> memref<1000x1024xf32, #tpu.memory_space<hbm>>
          tpu.wait_indirect_dma semaphore(%run_scoped3A_289 : memref<!tpu.dma_semaphore, #tpu.memory_space<semaphore_mem>>) src(%dma_wait3A_319 : memref<1000x1024xf32, #tpu.memory_space<hbm>>) dst(%dma_wait3A_308 : memref<40x1024xf32, #tpu.memory_space<vmem>>)
          tpu.yield
        }) : () -> ()
        "tpu.trace_stop"() : () -> ()
        %ne3A_212 = arith.cmpi ne, %add3A_135, %add3A_153 : i32
        %or3A_213 = arith.constant false
        %or3A_214 = arith.ori %or3A_213, %ne3A_212 : i1
        %or3A_215 = arith.constant false
        %or3A_216 = arith.ori %or3A_214, %or3A_215 : i1
        %or3A_217 = arith.constant false
        %or3A_218 = arith.ori %or3A_216, %or3A_217 : i1
        %or3A_219 = arith.ori %or3A_218, %eq3A_134 : i1
        %convert_element_type3A_220 = arith.extui %or3A_219 : i1 to i32
        %cond3A_221 = arith.constant 0 : i32
        %cond3A_222 = arith.cmpi ne, %convert_element_type3A_220, %cond3A_221 : i32
        scf.if %cond3A_222 {
        } else {
        }
        %and3A_223 = arith.constant false
        %and3A_224 = arith.andi %or3A_219, %and3A_223 : i1
        %ne3A_225 = arith.cmpi ne, %add3A_135, %add3A_153 : i32
        %or3A_226 = arith.constant false
        %or3A_227 = arith.ori %or3A_226, %ne3A_225 : i1
        %or3A_228 = arith.constant false
        %or3A_229 = arith.ori %or3A_227, %or3A_228 : i1
        %or3A_230 = arith.ori %or3A_229, %eq3A_134 : i1
        %convert_element_type3A_231 = arith.extui %or3A_230 : i1 to i32
        %cond3A_232 = arith.constant 0 : i32
        %cond3A_233 = arith.cmpi ne, %convert_element_type3A_231, %cond3A_232 : i32
        scf.if %cond3A_233 {
          "tpu.trace_start"() <{level = 10 : i32, message = "ep_copy_out"}> : () -> ()
          %rem3A_289 = arith.constant 2 : i32
          %rem3A_290 = arith.remui %scan3A_128, %rem3A_289 : i32
          %mul3A_291 = arith.constant 40 : i32
          %mul3A_292 = arith.muli %mul3A_291, %add3A_135 : i32
          %dma_start3A_293 = arith.constant 0 : i32
          %dma_start3A_294 = arith.constant 0 : i32
          %dma_start3A_295 = tpu.memref_slice %run_scoped3A_8[%rem3A_290, %dma_start3A_293, %dma_start3A_294] : memref<2x40x1024xf32, #tpu.memory_space<vmem>> -> memref<1x40x1024xf32, #tpu.memory_space<vmem>>
          %dma_start3A_296 = tpu.memref_squeeze %dma_start3A_295 : memref<1x40x1024xf32, #tpu.memory_space<vmem>> -> memref<40x1024xf32, #tpu.memory_space<vmem>>
          %dma_start3A_297 = arith.constant 0 : i32
          %dma_start3A_298 = tpu.memref_slice %arg4[%mul3A_292, %dma_start3A_297] : memref<51200x1024xf32, #tpu.memory_space<hbm>> -> memref<40x1024xf32, #tpu.memory_space<hbm>>
          %dma_start3A_299 = tpu.memref_slice %run_scoped3A_9[%rem3A_290] : memref<2x!tpu.dma_semaphore, #tpu.memory_space<semaphore_mem>> -> memref<1x!tpu.dma_semaphore, #tpu.memory_space<semaphore_mem>>
          %dma_start3A_300 = tpu.memref_squeeze %dma_start3A_299 : memref<1x!tpu.dma_semaphore, #tpu.memory_space<semaphore_mem>> -> memref<!tpu.dma_semaphore, #tpu.memory_space<semaphore_mem>>
          %dma_start3A_301 = arith.constant 0 : i32
          %dma_start3A_302 = tpu.memref_slice %arg4[%mul3A_292, %dma_start3A_301] : memref<51200x1024xf32, #tpu.memory_space<hbm>> -> memref<40x1024xf32, #tpu.memory_space<hbm>>
          %dma_start3A_303 = arith.constant 0 : i32
          %dma_start3A_304 = arith.constant 0 : i32
          %dma_start3A_305 = tpu.memref_slice %run_scoped3A_8[%rem3A_290, %dma_start3A_303, %dma_start3A_304] : memref<2x40x1024xf32, #tpu.memory_space<vmem>> -> memref<1x40x1024xf32, #tpu.memory_space<vmem>>
          %dma_start3A_306 = tpu.memref_squeeze %dma_start3A_305 : memref<1x40x1024xf32, #tpu.memory_space<vmem>> -> memref<40x1024xf32, #tpu.memory_space<vmem>>
          tpu.enqueue_dma source(%dma_start3A_306 : memref<40x1024xf32, #tpu.memory_space<vmem>>) target(%dma_start3A_302 : memref<40x1024xf32, #tpu.memory_space<hbm>>) target_semaphore(%dma_start3A_300 : memref<!tpu.dma_semaphore, #tpu.memory_space<semaphore_mem>>)
          "tpu.trace_stop"() : () -> ()
        } else {
        }
        %and3A_234 = arith.constant true
        %and3A_235 = arith.andi %or3A_230, %and3A_234 : i1
        %add3A_236 = arith.constant 1 : i32
        %add3A_237 = arith.addi %scan3A_128, %add3A_236 : i32
        %select_n3A_238 = arith.select %and3A_235, %add3A_237, %scan3A_128 : i32
        %ne3A_239 = arith.cmpi ne, %add3A_135, %add3A_144 : i32
        %or3A_240 = arith.constant false
        %or3A_241 = arith.ori %or3A_240, %ne3A_239 : i1
        %or3A_242 = arith.constant false
        %or3A_243 = arith.ori %or3A_241, %or3A_242 : i1
        %or3A_244 = arith.constant false
        %or3A_245 = arith.ori %or3A_243, %or3A_244 : i1
        %not3A_246 = arith.constant true
        %not3A_247 = arith.xori %eq3A_132, %not3A_246 : i1
        %and3A_248 = arith.andi %or3A_245, %not3A_247 : i1
        %convert_element_type3A_249 = arith.extui %and3A_248 : i1 to i32
        %cond3A_250 = arith.constant 0 : i32
        %cond3A_251 = arith.cmpi ne, %convert_element_type3A_249, %cond3A_250 : i32
        scf.if %cond3A_251 {
        } else {
        }
        %and3A_252 = arith.constant false
        %and3A_253 = arith.andi %and3A_248, %and3A_252 : i1
        %ne3A_254 = arith.cmpi ne, %add3A_135, %add3A_144 : i32
        %or3A_255 = arith.constant false
        %or3A_256 = arith.ori %or3A_255, %ne3A_254 : i1
        %or3A_257 = arith.constant false
        %or3A_258 = arith.ori %or3A_256, %or3A_257 : i1
        %not3A_259 = arith.constant true
        %not3A_260 = arith.xori %eq3A_132, %not3A_259 : i1
        %and3A_261 = arith.andi %or3A_258, %not3A_260 : i1
        %convert_element_type3A_262 = arith.extui %and3A_261 : i1 to i32
        %cond3A_263 = arith.constant 0 : i32
        %cond3A_264 = arith.cmpi ne, %convert_element_type3A_262, %cond3A_263 : i32
        scf.if %cond3A_264 {
          "tpu.trace_start"() <{level = 10 : i32, message = "ep_wait_out"}> : () -> ()
          %rem3A_289 = arith.constant 2 : i32
          %rem3A_290 = arith.remui %scan3A_129, %rem3A_289 : i32
          %mul3A_291 = arith.constant 40 : i32
          %mul3A_292 = arith.muli %mul3A_291, %add3A_144 : i32
          %dma_wait3A_293 = arith.constant 0 : i32
          %dma_wait3A_294 = arith.constant 0 : i32
          %dma_wait3A_295 = tpu.memref_slice %run_scoped3A_8[%rem3A_290, %dma_wait3A_293, %dma_wait3A_294] : memref<2x40x1024xf32, #tpu.memory_space<vmem>> -> memref<1x40x1024xf32, #tpu.memory_space<vmem>>
          %dma_wait3A_296 = tpu.memref_squeeze %dma_wait3A_295 : memref<1x40x1024xf32, #tpu.memory_space<vmem>> -> memref<40x1024xf32, #tpu.memory_space<vmem>>
          %dma_wait3A_297 = arith.constant 0 : i32
          %dma_wait3A_298 = tpu.memref_slice %arg4[%mul3A_292, %dma_wait3A_297] : memref<51200x1024xf32, #tpu.memory_space<hbm>> -> memref<40x1024xf32, #tpu.memory_space<hbm>>
          %dma_wait3A_299 = tpu.memref_slice %run_scoped3A_9[%rem3A_290] : memref<2x!tpu.dma_semaphore, #tpu.memory_space<semaphore_mem>> -> memref<1x!tpu.dma_semaphore, #tpu.memory_space<semaphore_mem>>
          %dma_wait3A_300 = tpu.memref_squeeze %dma_wait3A_299 : memref<1x!tpu.dma_semaphore, #tpu.memory_space<semaphore_mem>> -> memref<!tpu.dma_semaphore, #tpu.memory_space<semaphore_mem>>
          %dma_wait3A_301 = arith.constant 0 : i32
          %dma_wait3A_302 = tpu.memref_slice %arg4[%mul3A_292, %dma_wait3A_301] : memref<51200x1024xf32, #tpu.memory_space<hbm>> -> memref<40x1024xf32, #tpu.memory_space<hbm>>
          %dma_wait3A_303 = arith.constant 0 : i32
          %dma_wait3A_304 = arith.constant 0 : i32
          %dma_wait3A_305 = tpu.memref_slice %run_scoped3A_8[%rem3A_290, %dma_wait3A_303, %dma_wait3A_304] : memref<2x40x1024xf32, #tpu.memory_space<vmem>> -> memref<1x40x1024xf32, #tpu.memory_space<vmem>>
          %dma_wait3A_306 = tpu.memref_squeeze %dma_wait3A_305 : memref<1x40x1024xf32, #tpu.memory_space<vmem>> -> memref<40x1024xf32, #tpu.memory_space<vmem>>
          tpu.wait_dma2 semaphore(%dma_wait3A_300 : memref<!tpu.dma_semaphore, #tpu.memory_space<semaphore_mem>>) src(%dma_wait3A_306 : memref<40x1024xf32, #tpu.memory_space<vmem>>) dst(%dma_wait3A_302 : memref<40x1024xf32, #tpu.memory_space<hbm>>)
          "tpu.trace_stop"() : () -> ()
        } else {
        }
        %and3A_265 = arith.constant true
        %and3A_266 = arith.andi %and3A_261, %and3A_265 : i1
        %add3A_267 = arith.constant 1 : i32
        %add3A_268 = arith.addi %scan3A_129, %add3A_267 : i32
        %select_n3A_269 = arith.select %and3A_266, %add3A_268, %scan3A_129 : i32
        %ne3A_270 = arith.cmpi ne, %add3A_135, %add3A_153 : i32
        %or3A_271 = arith.constant false
        %or3A_272 = arith.ori %or3A_271, %ne3A_270 : i1
        %or3A_273 = arith.constant false
        %or3A_274 = arith.ori %or3A_272, %or3A_273 : i1
        %or3A_275 = arith.constant false
        %or3A_276 = arith.ori %or3A_274, %or3A_275 : i1
        %or3A_277 = arith.ori %or3A_276, %eq3A_134 : i1
        %add3A_278 = arith.constant 1 : i32
        %add3A_279 = arith.addi %scan3A_127, %add3A_278 : i32
        %select_n3A_280 = arith.select %or3A_277, %add3A_279, %scan3A_127 : i32
        %add3A_281 = arith.constant 1 : i32
        %add3A_282 = arith.addi %scan3A_130, %add3A_281 : i32
        %select_n3A_283 = arith.constant true
        %select_n3A_284 = arith.select %select_n3A_283, %add3A_282, %scan3A_130 : i32
        %eq3A_285 = arith.constant 40 : i32
        %eq3A_286 = arith.cmpi eq, %select_n3A_284, %eq3A_285 : i32
        %select_n3A_287 = arith.constant 0 : i32
        %select_n3A_288 = arith.select %eq3A_286, %select_n3A_287, %select_n3A_284 : i32
        scf.yield %select_n3A_175, %select_n3A_280, %select_n3A_238, %select_n3A_269, %select_n3A_288 : i32, i32, i32, i32, i32
      }
      %scan3A_72 = arith.constant 40 : i32
      %sub3A = arith.constant 1 : i32
      %sub3A_73 = arith.subi %scan3A_71#4, %sub3A : i32
      %select_n3A_74 = arith.constant true
      %select_n3A_75 = arith.select %select_n3A_74, %sub3A_73, %scan3A_71#4 : i32
      %eq3A_76 = arith.constant -1 : i32
      %eq3A_77 = arith.cmpi eq, %select_n3A_75, %eq3A_76 : i32
      %select_n3A_78 = arith.constant 39 : i32
      %select_n3A_79 = arith.select %eq3A_77, %select_n3A_78, %select_n3A_75 : i32
      %add3A_80 = arith.addi %select_n3A_79, %mul3A_6 : i32
      %sub3A_81 = arith.constant 1 : i32
      %sub3A_82 = arith.subi %select_n3A_79, %sub3A_81 : i32
      %select_n3A_83 = arith.constant true
      %select_n3A_84 = arith.select %select_n3A_83, %sub3A_82, %select_n3A_79 : i32
      %eq3A_85 = arith.constant -1 : i32
      %eq3A_86 = arith.cmpi eq, %select_n3A_84, %eq3A_85 : i32
      %select_n3A_87 = arith.constant 39 : i32
      %select_n3A_88 = arith.select %eq3A_86, %select_n3A_87, %select_n3A_84 : i32
      %add3A_89 = arith.addi %select_n3A_88, %mul3A_6 : i32
      %add3A_90 = arith.constant 1 : i32
      %add3A_91 = arith.addi %select_n3A_79, %add3A_90 : i32
      %select_n3A_92 = arith.constant true
      %select_n3A_93 = arith.select %select_n3A_92, %add3A_91, %select_n3A_79 : i32
      %eq3A_94 = arith.constant 40 : i32
      %eq3A_95 = arith.cmpi eq, %select_n3A_93, %eq3A_94 : i32
      %select_n3A_96 = arith.constant 0 : i32
      %select_n3A_97 = arith.select %eq3A_95, %select_n3A_96, %select_n3A_93 : i32
      %add3A_98 = arith.addi %select_n3A_97, %mul3A_6 : i32
      %add3A_99 = arith.constant 1 : i32
      %add3A_100 = arith.addi %select_n3A_97, %add3A_99 : i32
      %select_n3A_101 = arith.constant true
      %select_n3A_102 = arith.select %select_n3A_101, %add3A_100, %select_n3A_97 : i32
      %eq3A_103 = arith.constant 40 : i32
      %eq3A_104 = arith.cmpi eq, %select_n3A_102, %eq3A_103 : i32
      %select_n3A_105 = arith.constant 0 : i32
      %select_n3A_106 = arith.select %eq3A_104, %select_n3A_105, %select_n3A_102 : i32
      %add3A_107 = arith.addi %select_n3A_106, %mul3A_6 : i32
      "tpu.trace_start"() <{level = 10 : i32, message = "ep_finalize"}> : () -> ()
      %rem3A_108 = arith.constant 2 : i32
      %rem3A_109 = arith.remui %scan3A_71#3, %rem3A_108 : i32
      %mul3A_110 = arith.constant 40 : i32
      %mul3A_111 = arith.muli %mul3A_110, %add3A_80 : i32
      %dma_wait3A = arith.constant 0 : i32
      %dma_wait3A_112 = arith.constant 0 : i32
      %dma_wait3A_113 = tpu.memref_slice %run_scoped3A_8[%rem3A_109, %dma_wait3A, %dma_wait3A_112] : memref<2x40x1024xf32, #tpu.memory_space<vmem>> -> memref<1x40x1024xf32, #tpu.memory_space<vmem>>
      %dma_wait3A_114 = tpu.memref_squeeze %dma_wait3A_113 : memref<1x40x1024xf32, #tpu.memory_space<vmem>> -> memref<40x1024xf32, #tpu.memory_space<vmem>>
      %dma_wait3A_115 = arith.constant 0 : i32
      %dma_wait3A_116 = tpu.memref_slice %arg4[%mul3A_111, %dma_wait3A_115] : memref<51200x1024xf32, #tpu.memory_space<hbm>> -> memref<40x1024xf32, #tpu.memory_space<hbm>>
      %dma_wait3A_117 = tpu.memref_slice %run_scoped3A_9[%rem3A_109] : memref<2x!tpu.dma_semaphore, #tpu.memory_space<semaphore_mem>> -> memref<1x!tpu.dma_semaphore, #tpu.memory_space<semaphore_mem>>
      %dma_wait3A_118 = tpu.memref_squeeze %dma_wait3A_117 : memref<1x!tpu.dma_semaphore, #tpu.memory_space<semaphore_mem>> -> memref<!tpu.dma_semaphore, #tpu.memory_space<semaphore_mem>>
      %dma_wait3A_119 = arith.constant 0 : i32
      %dma_wait3A_120 = tpu.memref_slice %arg4[%mul3A_111, %dma_wait3A_119] : memref<51200x1024xf32, #tpu.memory_space<hbm>> -> memref<40x1024xf32, #tpu.memory_space<hbm>>
      %dma_wait3A_121 = arith.constant 0 : i32
      %dma_wait3A_122 = arith.constant 0 : i32
      %dma_wait3A_123 = tpu.memref_slice %run_scoped3A_8[%rem3A_109, %dma_wait3A_121, %dma_wait3A_122] : memref<2x40x1024xf32, #tpu.memory_space<vmem>> -> memref<1x40x1024xf32, #tpu.memory_space<vmem>>
      %dma_wait3A_124 = tpu.memref_squeeze %dma_wait3A_123 : memref<1x40x1024xf32, #tpu.memory_space<vmem>> -> memref<40x1024xf32, #tpu.memory_space<vmem>>
      tpu.wait_dma2 semaphore(%dma_wait3A_118 : memref<!tpu.dma_semaphore, #tpu.memory_space<semaphore_mem>>) src(%dma_wait3A_124 : memref<40x1024xf32, #tpu.memory_space<vmem>>) dst(%dma_wait3A_120 : memref<40x1024xf32, #tpu.memory_space<hbm>>)
      "tpu.trace_stop"() : () -> ()
      tpu.yield
    }) : () -> ()
    return
  }
}

</mosaic_0001>

<sc_bundles>
// kernel: kernel.3.cloned.1.call-start
scs
__scs_entry_jumppad:
0x0: {  	(pc) =	sbr.rel $0x88, $3  }
0x1: {  	(tag) =	ssettag $0x0;
	lr =	simm.s32 $0x1  }
0x2: {  	[smem:$0x3F9F] =	sst lr;
	_ =	strace $0xD0000000  }
0x3: {  	_ = 	snop  }
0x4: {  	_ = 	snop  }
0x5: {  	_ = 	snop  }
0x6: {  	_ = 	snop  }
0x7: {  	_ = 	snop  }
__scs_overlays_trampoline_lowered:
0x8: {  	[smem:$0x3FAE] =	sst s0  }
0x9: {  	[smem:$0x3FAF] =	sst s1  }
0xa: {  	[smem:$0x3FB0] =	sst s2  }
0xb: {  	[smem:$0x3FB1] =	sst s3  }
0xc: {  	[smem:$0x3FB2] =	sst s4  }
0xd: {  	[smem:$0x3FB3] =	sst s5  }
0xe: {  	[smem:$0x3FB4] =	sst s6  }
0xf: {  	[smem:$0x3FB5] =	sst s7  }
0x10: {  	[smem:$0x3FB6] =	sst s8  }
0x11: {  	[smem:$0x3FB7] =	sst s9;
	s0 =	simm.s32 @!p0 $0x0  }
0x12: {  	s1 =	sld [smem:$0x3F9D];
	s0 =	simm.s32 @p0 $0x1  }
0x13: {  	[smem:$0x3FB8] =	sst s0;
	s0 =	simm.s32 @!p1 $0x0  }
0x14: {  	s2 =	sld [smem:$0x3F9C];
	s0 =	simm.s32 @p1 $0x1  }
0x15: {  	[smem:$0x3FB9] =	sst s0;
	s0 =	simm.s32 @!p2 $0x0  }
0x16: {  	s3 =	sld [smem:$0x3FDB];
	s0 =	simm.s32 @p2 $0x1  }
0x17: {  	s4 =	simm.s32 $0x1BF5;
	[smem:$0x3FBB] =	sst s0  }
0x18: {  	s0 =	sld [smem:$0x3F9E];
	_ =	swait.ge [sflag:s4], $0x0  }
0x19: {  	s7 =	sld [smem:$0x3F9F]  }
0x1a: {  	s8 =	sadd.s32 $0xFFFFE003, lr  }
0x1b: {  	s9 =	sadd.s32 $0xFFFFFEF7, lr;
	s5 =	simm.s32 $0xFFFFFFFF;
	p2 =	slt.u32 s8, $0xFFFFF086  }
0x1c: {  	p1 =	slt.u32 s9, $0xF7A;
	s5 =	simm.s32 @!p2 $0x0  }
0x1d: {  	s5 =	simm.s32 @p1 $0x1;
	p0 =	seq.s32 s7, s2  }
0x1e: {  	s7 =	smul.u32 @!p0 $0xF7A, s2;
	p2 =	seq.s32 @!p0 s5, $0x0  }
0x1f: {  	s9 =	smul.u32 $0xF7A, s1;
	s8 =	simm.s32 @!p0 $0x1BF5;
	p2 =	por !p2, p0  }
0x20: {  	[sflag:s8] =	ssyncset.s32 @!p0 $0xFFFFF086;
	s6 =	sadd.s32 @!p0 s3, s7;
	s7 =	simm.s32 @!p0 $0x108  }
0x21: {  	s3 =	sadd.s32 s3, s9;
	s6 =	sadd.s32 @!p0 $0x88, s6;
	s7 =	simm.s32 @p2 $0x1082  }
0x22: {  	[simem:s7], [sflag:s8] =	dma.local @!p0 [hbm:s6], $0xF7A  }
0x23: {  	s9 =	sor.u32 $0xD0000000, s2;
	s6 =	simm.s32 $0x108;
	_ =	swait.ge @!p0 [sflag:s8], $0x0  }
0x24: {  	s3 =	sadd.s32 $0x88, s3;
	s6 =	simm.s32 @!p1 $0x1082;
	[sflag:s4] =	ssyncset.s32 $0xFFFFF086  }
0x25: {  	[simem:s6], [sflag:s4] =	dma.local [hbm:s3], $0xF7A  }
0x26: {  	[smem:$0x3F9F] =	sst s1;
	(tag) =	ssettag s2;
	_ =	strace s9  }
0x27: {  	s1 =	sld [smem:$0x3FAF]  }
0x28: {  	s2 =	sld [smem:$0x3FB0]  }
0x29: {  	s4 =	sld [smem:$0x3FB2]  }
0x2a: {  	p0 =	seq.s32 s5, $0x0;
	s5 =	sld [smem:$0x3FB3]  }
0x2b: {  	s6 =	sld [smem:$0x3FB4]  }
0x2c: {  	s7 =	sld [smem:$0x3FB5]  }
0x2d: {  	s3 =	simm.s32 $0x108;
	s8 =	sld [smem:$0x3FB6]  }
0x2e: {  	s3 =	simm.s32 @!p0 $0x1082;
	s9 =	sld [smem:$0x3FB7]  }
0x2f: {  	lr =	sadd.s32 s0, s3;
	s0 =	sld [smem:$0x3FAE]  }
0x30: {  	s3 =	sld [smem:$0x3FB1]  }
0x31: {  	[smem:$0x3FBA] =	sst s10  }
0x32: {  	s10 =	sld [smem:$0x3FB8];
	_ =	sdelay $0x3  }
0x33: {  	p0 =	seq.s32 s10, $0x1;
	s10 =	sld [smem:$0x3FBA];
	_ =	sdelay $0x3  }
0x34: {  	[smem:$0x3FBA] =	sst s10  }
0x35: {  	s10 =	sld [smem:$0x3FB9];
	_ =	sdelay $0x3  }
0x36: {  	p1 =	seq.s32 s10, $0x1;
	s10 =	sld [smem:$0x3FBA];
	_ =	sdelay $0x3  }
0x37: {  	[smem:$0x3FBA] =	sst s10  }
0x38: {  	s10 =	sld [smem:$0x3FBB]  }
0x39: {  	_ = 	snop;
	(pc) =	sbr.ind lr, $3  }
0x3a: {  	_ = 	snop  }
0x3b: {  	_ = 	snop  }
0x3c: {  	p2 =	seq.s32 s10, $0x1;
	s10 =	sld [smem:$0x3FBA]  }
0x3d: {  	_ =	shalt  }
0x3e: {  	_ =	shalt  }
0x3f: {  	_ =	shalt  }
0x40: {  	_ =	shalt  }
0x41: {  	_ =	shalt  }
0x42: {  	_ =	shalt  }
0x43: {  	_ =	shalt  }
0x44: {  	_ =	shalt  }
0x45: {  	_ =	shalt  }
0x46: {  	_ =	shalt  }
0x47: {  	_ =	shalt  }
0x48: {  	_ =	shalt  }
0x49: {  	_ =	shalt  }
0x4a: {  	_ =	shalt  }
0x4b: {  	_ =	shalt  }
0x4c: {  	_ =	shalt  }
0x4d: {  	_ =	shalt  }
0x4e: {  	_ =	shalt  }
0x4f: {  	_ =	shalt  }
0x50: {  	_ =	shalt  }
0x51: {  	_ =	shalt  }
0x52: {  	_ =	shalt  }
0x53: {  	_ =	shalt  }
0x54: {  	_ =	shalt  }
0x55: {  	_ =	shalt  }
0x56: {  	_ =	shalt  }
0x57: {  	_ =	shalt  }
0x58: {  	_ =	shalt  }
0x59: {  	_ =	shalt  }
0x5a: {  	_ =	shalt  }
0x5b: {  	_ =	shalt  }
0x5c: {  	_ =	shalt  }
0x5d: {  	_ =	shalt  }
0x5e: {  	_ =	shalt  }
0x5f: {  	_ =	shalt  }
0x60: {  	_ =	shalt  }
0x61: {  	_ =	shalt  }
0x62: {  	_ =	shalt  }
0x63: {  	_ =	shalt  }
0x64: {  	_ =	shalt  }
0x65: {  	_ =	shalt  }
0x66: {  	_ =	shalt  }
0x67: {  	_ =	shalt  }
0x68: {  	_ =	shalt  }
0x69: {  	_ =	shalt  }
0x6a: {  	_ =	shalt  }
0x6b: {  	_ =	shalt  }
0x6c: {  	_ =	shalt  }
0x6d: {  	_ =	shalt  }
0x6e: {  	_ =	shalt  }
0x6f: {  	_ =	shalt  }
0x70: {  	_ =	shalt  }
0x71: {  	_ =	shalt  }
0x72: {  	_ =	shalt  }
0x73: {  	_ =	shalt  }
0x74: {  	_ =	shalt  }
0x75: {  	_ =	shalt  }
0x76: {  	_ =	shalt  }
0x77: {  	_ =	shalt  }
0x78: {  	_ =	shalt  }
0x79: {  	_ =	shalt  }
0x7a: {  	_ =	shalt  }
0x7b: {  	_ =	shalt  }
0x7c: {  	_ =	shalt  }
0x7d: {  	_ =	shalt  }
0x7e: {  	_ =	shalt  }
0x7f: {  	_ =	shalt  }
0x80: {  	_ =	shalt  }
0x81: {  	_ =	shalt  }
0x82: {  	_ =	shalt  }
0x83: {  	_ =	shalt  }
0x84: {  	_ =	shalt  }
0x85: {  	_ =	shalt  }
0x86: {  	_ =	shalt  }
0x87: {  	_ =	shalt  }
.Lfunc_end0:
.L_simem_size_0:
called_computation.1_lowered:
.L_overlay_start_0:
0x88: {  	s2 =	sld [smem:$0x3FD9]  }
0x89: {  	s3 =	sld [smem:$0x3FFE];
	_ =	sdelay $0x1  }
0x8a: {  	s1 =	srdreg.scid  }
0x8b: {  	s0 =	sand.u32 $0x1, s1  }
0x8c: {  	s17 =	sshll.u32 s0, $0xA;
	s2 =	sadd.s32 s3, s2  }
0x8d: {  	s2 =	sadd.s32 s2, s17  }
0x8e: {  	[smem:$0x3FC6] =	sst s2  }
0x8f: {  	_ = 	snop  }
0x90: {  	s2 =	sld [smem:$0x3FD0];
	(tm) =	ssettm $0x1  }
0x91: {  	s18 =	sld [smem:$0x3FFB];
	_ =	sdelay $0x3  }
0x92: {  	_ =	strace s18  }
0x93: {  	s3 =	sld [smem:$0x3FFC];
	_ =	sdelay $0x3  }
0x94: {  	_ =	strace s3  }
0x95: {  	s3 =	sld [smem:$0x3FFD];
	_ =	sdelay $0x3  }
0x96: {  	_ =	strace s3  }
0x97: {  	_ =	strace $0x8FFFFFFF  }
0x98: {  	s19 =	sld [smem:$0x3FDB];
	_ =	sdelay $0x1  }
0x99: {  	s4 =	simm.s32 $_scs_section_size  }
0x9a: {  	s5 =	simm.s32 $_size__tile_overlayer_lowered;
	s6 =	simm.s32 $_tile_overlayer_lowered  }
0x9b: {  	s22 =	simm.s32 $0x1BFF;
	s21 =	sshll.u32 s6, $0x1;
	s3 =	sadd.s32 s4, s19  }
0x9c: {  	s7 =	simm.s32 $0x0;
	s20 =	sshll.u32 s5, $0x1;
	s5 =	sadd.s32 s21, s3  }
0x9d: {  	[timem:s7], [sflag:s22] =	dma.local [hbm:s5], s20  }
0x9e: {  	_ =	swait.ge [sflag:s22], s20  }
0x9f: {  	s4 =	ssub.s32 $0x0, s20;
	[sflag:s22] =	ssyncset.done $0x0  }
0xa0: {  	[sflag:s22] =	ssyncadd.s32 s4;
	_ =	sdelay $0x1  }
0xa1: {  	s23 =	simm.s32 $0x1B8B  }
0xa2: {  	_ =	swait.ge [sflag:s23], $0x1  }
0xa3: {  	[sflag:s23] =	ssyncset.done $0x0  }
0xa4: {  	s25 =	simm.s32 $0x1B8E;
	s24 =	sld [smem:$0x3FFE];
	[sflag:s23] =	ssyncadd.s32 $0xFFFFFFFF  }
0xa5: {  	s26 =	simm.s32 $execute0_lowered;
	[smem:$0x3FD2] =	sst s25  }
0xa6: {  	s5 =	sshll.u32 s26, $0x1;
	_ =	strace $0x80000046;
	[dreg:$0x1] =	wrdreg $0xFFFFFFFF  }
0xa7: {  	s28 =	simm.s32 $_size_execute0_lowered;
	s3 =	sadd.s32 s3, s5;
	[dreg:$0x0] =	wrdreg $0x0  }
0xa8: {  	s5 =	sshll.u32 s28, $0x1;
	[dreg:$0x2] =	wrdreg s3  }
0xa9: {  	[dreg:$0x3] =	wrdreg s5  }
0xaa: {  	[dreg:$0x4] =	wrdreg $0xC0  }
0xab: {  	_ =	task [dreg:s7], $0x5FFFF  }
0xac: {  	[dreg:$0x1] =	wrdreg $0xFFFFFFFF  }
0xad: {  	[dreg:$0x0] =	wrdreg $0x60  }
0xae: {  	[dreg:$0x2] =	wrdreg s2  }
0xaf: {  	[dreg:$0x3] =	wrdreg s24  }
0xb0: {  	[dreg:$0x4] =	wrdreg $0x9  }
0xb1: {  	_ =	task.clear_ibuf [dreg:s7], $0x5FFFF;
	_ =	strace $0x90000046  }
0xb2: {  	s29 =	simm.s32 $0x9;
	_ =	strace $0x8000004F  }
0xb3: {  	_ =	swait.ge [sflag:s29], $0x1  }
0xb4: {  	[sflag:s29] =	ssyncadd.s32 $0xFFFFFFFF  }
0xb5: {  	_ =	strace $0x9000004F  }
0xb6: {  	_ =	sfence  }
0xb7: {  	s30 =	sld [smem:$0x0];
	_ =	sdelay $0x2  }
0xb8: {  	s31 =	sshll.u32 s1, $0xD;
	s1 =	sshrl.u32 s1, $0x2  }
0xb9: {  	s3 =	sand.u32 $0x4000, s31;
	s1 =	sadd.s32 s1, s30  }
0xba: {  	s0 =	sor.u32 s3, s0;
	s1 =	sshll.u32 s1, $0x11  }
0xbb: {  	s0 =	sor.u32 s1, s0  }
0xbc: {  	s0 =	sadd.s32 $0x8F2B, s0  }
0xbd: {  	[sflag:s0] =	ssyncadd.remote.s32 $0x1  }
0xbe: {  	_ =	sfence.sel $0xFFFF  }
0xbf: {  	[dreg:$0x0] =	wrdreg $0xFFFFFFFF;
	(pc) =	sbr.abs _section_cstart, $3  }
0xc0: {  	[dreg:$0x1] =	wrdreg $0xFFFFFFFF  }
0xc1: {  	_ =	task.clear_ibuf [dreg:s7], $0x2FFFF;
	_ =	strace $0x9FFFFFFF  }
0xc2: {  	(tm) =	ssettm $0x7FFFFFFF  }
0xc3: {  	_ =	shalt  }
tec
execute0_lowered:
.L_overlay_start_1:
0x0: {  	(tag) =	ssettag $0x1  }
0x1: {  	s1 =	rddreg [dreg:$0x0]  }
0x2: {  	s5 =	rddreg [dreg:$0x1];
	s2 =	simm.s32 $0x0  }
0x3: {  	s3 =	srdreg.scid;
	s0 =	stileid.u32;
	s11 =	simm.s32 $0x1  }
0x4: {  	s12 =	simm.s32 $0x5;
	s13 =	simm.s32 $0x4;
	s14 =	simm.s32 $0x0  }
0x5: {  	[smem:$0x7FF] =	sst s2;
	s6 =	sand.u32 $0x1, s3;
	s4 =	sadd.s32 $0x800, s5  }
0x6: {  	s5 =	sadd.s32 $0x5800, s5;
	s7 =	sshll.u32 s6, $0x4;
	s6 =	ssub.s32 $0x2, s6  }
0x7: {  	_ =	strace $0x80000047;
	s7 =	sor.u32 s0, s7;
	s8 =	sshrl.u32 s6, $0x1  }
0x8: {  	v2 =	vlaneseq.u32;
	[dreg:$0x3] =	wrdreg s5;
	s9 =	smul.u32 $0x280, s7;
	s10 =	ssub.s32 s6, s8  }
0x9: {  	vm0 =	vmmov $0xffff;
	v1 =	vshrl.u32 v2, $0x3;
	s5 =	smul.u32 $0x28, s7;
	s7 =	sadd.s32 $0x100, s1;
	s8 =	sadd.s32 $0x200, s1  }
0xa: {  	v0 =	vand.u32 $0x7, v2;
	v2 =	vor.u32 $0x8, v2;
	v1 =	vmul.u32 $0x8, v1;
	s10 =	smax.u32 s10, $0x1;
	s6 =	sadd.s32 s4, s9;
	s9 =	sadd.s32 $0x300, s1  }
.LBB2_1:
0xb: {  	_ =	strace $0x80000048;
	s15 =	simm.s32 $0x1;
	p0 =	por $0x0, $0x0  }
0xc: {  	[tilespmem:s2], [sflag:$0x1] =	stream.linear.gather [hbm4b:s6+s2], $0x80, $0x200038;
	[tilespmem:$0x14100] =	vst v63  }
0xd: {  	s15 =	simm.s32 @p0 $0x0  }
0xe: {  	p1 =	por $0x1, $0x1;
	p0 =	sne.s32 s15, $0x0  }
0xf: {  	p1 =	por !p1, !p0  }
0x10: {  	p1 =	por !p1, !p1  }
0x11: {  	s16 =	sadd.s32 @p1 s5, s15  }
0x12: {  	_ =	strace $0x90000048;
	s17 =	sand.u32 @p1 $0x1, s11;
	s16 =	sshll.u32 @p1 s16, $0x4  }
0x13: {  	s19 =	simm.s32 @p1 $0x0;
	_ =	strace @p1 $0x80000049;
	s16 =	sand.u32 @p1 $0x1FFFFFF0, s16  }
0x14: {  	s18 =	sshll.u32 @p1 s17, $0x7;
	s17 =	sadd.s32 @p1 $0x1, s17;
	s16 =	sadd.s32 @p1 s4, s16  }
0x15: {  	[tilespmem:s18], [sflag:s17] =	stream.linear.gather @p1 [hbm4b:s16+s19], $0x80, $0x200038;
	[tilespmem:$0x14100] =	vst v63  }
0x16: {  	s18 =	sand.u32 $0x1, s2;
	_ =	strace @p1 $0x90000049  }
0x17: {  	s3 =	sadd.s32 $0x1, s18;
	_ =	strace $0x8000004A  }
0x18: {  	_ =	swait.ge [sflag:s3], $0x80  }
0x19: {  	[sflag:s3] =	ssyncset.done $0x0  }
0x1a: {  	[sflag:s3] =	ssyncadd.s32 $0xFFFFFF80  }
0x1b: {  	s17 =	simm.s32 $0x0;
	_ =	strace $0x9000004A  }
0x1c: {  	s16 =	sand.u32 $0x80, s17;
	_ =	strace $0x8000004B  }
0x1d: {  	v3 =	vld [tilespmem:s16+$0x0];
	_ =	sdelay $0x4  }
0x1e: {  	v4 =	vshll.u32 v3, $0x3  }
0x1f: {  	v3 =	vand.u32 $0x7, v3;
	v4 =	vand.u32 $0xFFFFFFC0, v4  }
0x20: {  	v3 =	vor.u32 v3, v4  }
0x21: {  	v4 =	vperm.xlane v3, v0;
	_ =	sdelay $0x1  }
0x22: {  	v4 =	vadd.s32 v1, v4  }
0x23: {  	s19 =	smul.u32 $0x28000, s18;
	_ =	sdelay $0x1  }
0x24: {  	s19 =	sshrl.u32 s19, $0x2  }
0x25: {  	s23 =	sor.u32 $0x100, s19  }
0x26: {  	[tilespmem:s23], [sflag:$0x5] =	stream.indirect_vreg.gather [hbm4b:s1+s2], $0x80, v4, vm0, $0x2000b8;
	[tilespmem:$0x14100] =	vst v63  }
0x27: {  	s17 =	sor.u32 $0x900, s19;
	v3 =	vperm.xlane v3, v2  }
0x28: {  	[tilespmem:s17], [sflag:$0x5] =	stream.indirect_vreg.gather [hbm4b:s7+s2], $0x80, v4, vm0, $0x2000b8;
	[tilespmem:$0x14100] =	vst v63  }
0x29: {  	s20 =	sor.u32 $0x1100, s19;
	v3 =	vadd.s32 v1, v3  }
0x2a: {  	[tilespmem:s20], [sflag:$0x5] =	stream.indirect_vreg.gather [hbm4b:s8+s2], $0x80, v4, vm0, $0x2000b8;
	[tilespmem:$0x14100] =	vst v63  }
0x2b: {  	s21 =	sor.u32 $0x1900, s19  }
0x2c: {  	[tilespmem:s21], [sflag:$0x5] =	stream.indirect_vreg.gather [hbm4b:s9+s2], $0x80, v4, vm0, $0x2000b8;
	[tilespmem:$0x14100] =	vst v63  }
0x2d: {  	s22 =	sadd.s32 $0x2100, s19  }
0x2e: {  	[tilespmem:s22], [sflag:$0x5] =	stream.indirect_vreg.gather [hbm4b:s1+s2], $0x80, v3, vm0, $0x2000b8;
	[tilespmem:$0x14100] =	vst v63  }
0x2f: {  	s24 =	sadd.s32 $0x2900, s19  }
0x30: {  	[tilespmem:s24], [sflag:$0x5] =	stream.indirect_vreg.gather [hbm4b:s7+s2], $0x80, v3, vm0, $0x2000b8;
	[tilespmem:$0x14100] =	vst v63  }
0x31: {  	s25 =	sadd.s32 $0x3100, s19  }
0x32: {  	[tilespmem:s25], [sflag:$0x5] =	stream.indirect_vreg.gather [hbm4b:s8+s2], $0x80, v3, vm0, $0x2000b8;
	[tilespmem:$0x14100] =	vst v63  }
0x33: {  	s26 =	sadd.s32 $0x3900, s19  }
0x34: {  	[tilespmem:s26], [sflag:$0x5] =	stream.indirect_vreg.gather [hbm4b:s9+s2], $0x80, v3, vm0, $0x2000b8;
	[tilespmem:$0x14100] =	vst v63  }
0x35: {  	v3 =	vld [tilespmem:s16+$0x10];
	_ =	sdelay $0x4  }
0x36: {  	v62 =	vshll.u32 v3, $0x3  }
0x37: {  	v3 =	vand.u32 $0x7, v3;
	v4 =	vand.u32 $0xFFFFFFC0, v62  }
0x38: {  	v3 =	vor.u32 v3, v4  }
0x39: {  	v4 =	vperm.xlane v3, v0;
	_ =	sdelay $0x1  }
0x3a: {  	v4 =	vadd.s32 v1, v4;
	_ =	sdelay $0x3  }
0x3b: {  	s31 =	sadd.s32 $0x4100, s19  }
0x3c: {  	[tilespmem:s31], [sflag:$0x5] =	stream.indirect_vreg.gather [hbm4b:s1+s2], $0x80, v4, vm0, $0x2000b8;
	[tilespmem:$0x14100] =	vst v63  }
0x3d: {  	s0 =	sadd.s32 $0x4900, s19;
	v3 =	vperm.xlane v3, v2  }
0x3e: {  	[tilespmem:s0], [sflag:$0x5] =	stream.indirect_vreg.gather [hbm4b:s7+s2], $0x80, v4, vm0, $0x2000b8;
	[tilespmem:$0x14100] =	vst v63  }
0x3f: {  	s3 =	sadd.s32 $0x5100, s19;
	v3 =	vadd.s32 v1, v3  }
0x40: {  	[tilespmem:s3], [sflag:$0x5] =	stream.indirect_vreg.gather [hbm4b:s8+s2], $0x80, v4, vm0, $0x2000b8;
	[tilespmem:$0x14100] =	vst v63  }
0x41: {  	s20 =	sadd.s32 $0x5900, s19  }
0x42: {  	[tilespmem:s20], [sflag:$0x5] =	stream.indirect_vreg.gather [hbm4b:s9+s2], $0x80, v4, vm0, $0x2000b8;
	[tilespmem:$0x14100] =	vst v63  }
0x43: {  	s21 =	sadd.s32 $0x6100, s19  }
0x44: {  	[tilespmem:s21], [sflag:$0x5] =	stream.indirect_vreg.gather [hbm4b:s1+s2], $0x80, v3, vm0, $0x2000b8;
	[tilespmem:$0x14100] =	vst v63  }
0x45: {  	s22 =	sadd.s32 $0x6900, s19  }
0x46: {  	[tilespmem:s22], [sflag:$0x5] =	stream.indirect_vreg.gather [hbm4b:s7+s2], $0x80, v3, vm0, $0x2000b8;
	[tilespmem:$0x14100] =	vst v63  }
0x47: {  	s24 =	sadd.s32 $0x7100, s19  }
0x48: {  	[tilespmem:s24], [sflag:$0x5] =	stream.indirect_vreg.gather [hbm4b:s8+s2], $0x80, v3, vm0, $0x2000b8;
	[tilespmem:$0x14100] =	vst v63  }
0x49: {  	s25 =	sadd.s32 $0x7900, s19;
	s16 =	sor.u32 $0x20, s16  }
0x4a: {  	[tilespmem:s25], [sflag:$0x5] =	stream.indirect_vreg.gather [hbm4b:s9+s2], $0x80, v3, vm0, $0x2000b8;
	[tilespmem:$0x14100] =	vst v63  }
0x4b: {  	v3 =	vld.msk [tilespmem:s16+$0x0], $0xff;
	_ =	sdelay $0x4  }
0x4c: {  	v63 =	vshll.u32 v3, $0x3  }
0x4d: {  	v3 =	vand.u32 $0x7, v3;
	v4 =	vand.u32 $0xFFFFFFC0, v63  }
0x4e: {  	v3 =	vor.u32 v3, v4  }
0x4f: {  	v3 =	vperm.xlane v3, v0;
	_ =	sdelay $0x1  }
0x50: {  	p3 =	por $0x1, $0x1;
	p5 =	por $0x1, $0x1;
	v3 =	vadd.s32 v1, v3  }
0x51: {  	p6 =	por $0x0, $0x0;
	s30 =	simm.s32 $0x1;
	p2 =	por p0, p0  }
0x52: {  	p0 =	por p3, p3;
	p6 =	por p6, p2;
	s17 =	simm.s32 $0x1  }
0x53: {  	s30 =	simm.s32 @!p6 $0x0;
	s17 =	simm.s32 @!p1 $0x0;
	p1 =	por $0x0, $0x0  }
0x54: {  	s17 =	sadd.s32 $0x1, s17;
	s26 =	sadd.s32 $0x8900, s19;
	s21 =	sadd.s32 $0x8100, s19  }
0x55: {  	[tilespmem:s21], [sflag:$0x5] =	stream.indirect_vreg.gather [hbm4b:s1+s2], $0x80, v3, vm0, $0x2000b8;
	[tilespmem:$0x14100] =	vst v63  }
0x56: {  	s22 =	sand.u32 @!p3 $0x1, s2;
	p3 =	por $0x0, $0x0;
	s24 =	simm.s32 $0x1  }
0x57: {  	[tilespmem:s26], [sflag:$0x5] =	stream.indirect_vreg.gather [hbm4b:s7+s2], $0x80, v3, vm0, $0x2000b8;
	[tilespmem:$0x14100] =	vst v63  }
0x58: {  	s31 =	sadd.s32 $0x9100, s19;
	s20 =	simm.s32 $0x26;
	s24 =	simm.s32 @!p3 $0x0  }
0x59: {  	[tilespmem:s31], [sflag:$0x5] =	stream.indirect_vreg.gather [hbm4b:s8+s2], $0x80, v3, vm0, $0x2000b8;
	[tilespmem:$0x14100] =	vst v63  }
0x5a: {  	s19 =	sadd.s32 $0x9900, s19;
	s25 =	sadd.s32 $0x0, s5;
	s24 =	sadd.s32 $0x0, s24  }
0x5b: {  	[tilespmem:s19], [sflag:$0x5] =	stream.indirect_vreg.gather [hbm4b:s9+s2], $0x80, v3, vm0, $0x2000b8;
	[tilespmem:$0x14100] =	vst v63  }
0x5c: {  	s16 =	simm.s32 $0x27;
	s21 =	sadd.s32 $0x1, s15;
	_ =	swait.ge [sflag:s12], $0xA000  }
0x5d: {  	s28 =	sand.u32 @!p1 $0x1, s24;
	p3 =	seq.s32 s21, $0x28;
	[sflag:s12] =	ssyncset.done $0x0  }
0x5e: {  	s29 =	smul.u32 @p6 $0xA000, s25;
	s21 =	simm.s32 @p3 $0x0;
	[sflag:s12] =	ssyncadd.s32 $0xFFFF6000  }
0x5f: {  	s25 =	simm.s32 $0x0;
	p4 =	sne.s32 s15, s21;
	_ =	strace $0x9000004B  }
0x60: {  	p5 =	por !p5, !p4;
	s19 =	simm.s32 $0x0;
	_ =	strace @p6 $0x8000004C  }
.LBB2_2:
0x61: {  	s31 =	rddreg [dreg:$0x3];
	s0 =	sshrl.u32 @p6 s29, $0x3  }
0x62: {  	s18 =	sadd.s32 @p6 $0x3, s18;
	s0 =	sadd.s32 @p6 s31, s0;
	s31 =	simm.s32 @p6 $0x0  }
0x63: {  	[hbm4b:s0+s31] =	stream.linear.scatter @p6 [tilespmem:s23], [sflag:s18], $0xA000, $0x200038;
	[tilespmem:$0x14100] =	vst v63  }
0x64: {  	p3 =	por p4, p4;
	_ =	strace @p6 $0x9000004C  }
0x65: {  	s19 =	sadd.s32 s30, s19;
	s0 =	sadd.s32 @!p0 $0x3, s22;
	_ =	strace @!p0 $0x8000004D  }
0x66: {  	p4 =	por !p5, !p5;
	s25 =	sadd.s32 s30, s25;
	_ =	swait.ge @!p0 [sflag:s0], $0xA000  }
0x67: {  	s30 =	simm.s32 @p4 $0x0;
	s22 =	sadd.s32 @p4 s5, s21;
	[sflag:s0] =	ssyncset.done @!p0 $0x0  }
0x68: {  	s18 =	sand.u32 @p4 $0x1, s17;
	s22 =	sshll.u32 @p4 s22, $0x4;
	[sflag:s0] =	ssyncadd.s32 @!p0 $0xFFFF6000  }
0x69: {  	s23 =	sshll.u32 @p4 s18, $0x7;
	s22 =	sand.u32 @p4 $0x1FFFFFF0, s22;
	_ =	strace @!p0 $0x9000004D  }
0x6a: {  	s0 =	sadd.s32 @p4 $0x1, s18;
	s18 =	sadd.s32 @p4 s4, s22;
	_ =	strace @p4 $0x80000049  }
0x6b: {  	[tilespmem:s23], [sflag:s0] =	stream.linear.gather @p4 [hbm4b:s18+s30], $0x80, $0x200038;
	[tilespmem:$0x14100] =	vst v63  }
0x6c: {  	s31 =	sand.u32 $0x1, s25;
	_ =	strace @p4 $0x90000049  }
0x6d: {  	s18 =	sadd.s32 $0x1, s31;
	_ =	strace $0x8000004A  }
0x6e: {  	_ =	swait.ge [sflag:s18], $0x80  }
0x6f: {  	[sflag:s18] =	ssyncset.done $0x0  }
0x70: {  	[sflag:s18] =	ssyncadd.s32 $0xFFFFFF80  }
0x71: {  	s23 =	sshll.u32 s25, $0x7;
	_ =	strace $0x9000004A  }
0x72: {  	s30 =	sand.u32 $0x80, s23;
	_ =	strace $0x8000004B  }
0x73: {  	v3 =	vld [tilespmem:s30+$0x0];
	_ =	sdelay $0x4  }
0x74: {  	v4 =	vshll.u32 v3, $0x3  }
0x75: {  	v3 =	vand.u32 $0x7, v3;
	v4 =	vand.u32 $0xFFFFFFC0, v4  }
0x76: {  	v3 =	vor.u32 v3, v4  }
0x77: {  	v4 =	vperm.xlane v3, v0;
	_ =	sdelay $0x1  }
0x78: {  	s18 =	sand.u32 $0x1, s19;
	v4 =	vadd.s32 v1, v4  }
0x79: {  	s31 =	smul.u32 $0x28000, s18;
	_ =	sdelay $0x1  }
0x7a: {  	s22 =	smov.u32 s28;
	s28 =	sshrl.u32 s31, $0x2  }
0x7b: {  	s3 =	simm.s32 $0x1;
	s23 =	sor.u32 $0x100, s28  }
0x7c: {  	[tilespmem:s23], [sflag:$0x5] =	stream.indirect_vreg.gather [hbm4b:s1+s2], $0x80, v4, vm0, $0x2000b8;
	[tilespmem:$0x14100] =	vst v63  }
0x7d: {  	s3 =	simm.s32 @!p4 $0x0;
	s0 =	sor.u32 $0x900, s28;
	v3 =	vperm.xlane v3, v2  }
0x7e: {  	[tilespmem:s0], [sflag:$0x5] =	stream.indirect_vreg.gather [hbm4b:s7+s2], $0x80, v4, vm0, $0x2000b8;
	[tilespmem:$0x14100] =	vst v63  }
0x7f: {  	s17 =	sadd.s32 s3, s17;
	s3 =	sor.u32 $0x1100, s28;
	v3 =	vadd.s32 v1, v3  }
0x80: {  	[tilespmem:s3], [sflag:$0x5] =	stream.indirect_vreg.gather [hbm4b:s8+s2], $0x80, v4, vm0, $0x2000b8;
	[tilespmem:$0x14100] =	vst v63  }
0x81: {  	s31 =	sor.u32 $0x1900, s28  }
0x82: {  	[tilespmem:s31], [sflag:$0x5] =	stream.indirect_vreg.gather [hbm4b:s9+s2], $0x80, v4, vm0, $0x2000b8;
	[tilespmem:$0x14100] =	vst v63  }
0x83: {  	s3 =	sadd.s32 $0x2100, s28  }
0x84: {  	[tilespmem:s3], [sflag:$0x5] =	stream.indirect_vreg.gather [hbm4b:s1+s2], $0x80, v3, vm0, $0x2000b8;
	[tilespmem:$0x14100] =	vst v63  }
0x85: {  	s31 =	sadd.s32 $0x2900, s28  }
0x86: {  	[tilespmem:s31], [sflag:$0x5] =	stream.indirect_vreg.gather [hbm4b:s7+s2], $0x80, v3, vm0, $0x2000b8;
	[tilespmem:$0x14100] =	vst v63  }
0x87: {  	s3 =	sadd.s32 $0x3100, s28  }
0x88: {  	[tilespmem:s3], [sflag:$0x5] =	stream.indirect_vreg.gather [hbm4b:s8+s2], $0x80, v3, vm0, $0x2000b8;
	[tilespmem:$0x14100] =	vst v63  }
0x89: {  	s31 =	sadd.s32 $0x3900, s28  }
0x8a: {  	[tilespmem:s31], [sflag:$0x5] =	stream.indirect_vreg.gather [hbm4b:s9+s2], $0x80, v3, vm0, $0x2000b8;
	[tilespmem:$0x14100] =	vst v63  }
0x8b: {  	v3 =	vld [tilespmem:s30+$0x10];
	_ =	sdelay $0x4  }
0x8c: {  	v62 =	vshll.u32 v3, $0x3  }
0x8d: {  	v3 =	vand.u32 $0x7, v3;
	v4 =	vand.u32 $0xFFFFFFC0, v62  }
0x8e: {  	v3 =	vor.u32 v3, v4  }
0x8f: {  	v4 =	vperm.xlane v3, v0;
	_ =	sdelay $0x1  }
0x90: {  	v4 =	vadd.s32 v1, v4;
	_ =	sdelay $0x3  }
0x91: {  	s3 =	sadd.s32 $0x4100, s28  }
0x92: {  	[tilespmem:s3], [sflag:$0x5] =	stream.indirect_vreg.gather [hbm4b:s1+s2], $0x80, v4, vm0, $0x2000b8;
	[tilespmem:$0x14100] =	vst v63  }
0x93: {  	s31 =	sadd.s32 $0x4900, s28;
	v3 =	vperm.xlane v3, v2  }
0x94: {  	[tilespmem:s31], [sflag:$0x5] =	stream.indirect_vreg.gather [hbm4b:s7+s2], $0x80, v4, vm0, $0x2000b8;
	[tilespmem:$0x14100] =	vst v63  }
0x95: {  	v3 =	vadd.s32 v1, v3;
	s3 =	sadd.s32 $0x5100, s28  }
0x96: {  	[tilespmem:s3], [sflag:$0x5] =	stream.indirect_vreg.gather [hbm4b:s8+s2], $0x80, v4, vm0, $0x2000b8;
	[tilespmem:$0x14100] =	vst v63  }
0x97: {  	s31 =	sadd.s32 $0x5900, s28  }
0x98: {  	[tilespmem:s31], [sflag:$0x5] =	stream.indirect_vreg.gather [hbm4b:s9+s2], $0x80, v4, vm0, $0x2000b8;
	[tilespmem:$0x14100] =	vst v63  }
0x99: {  	s3 =	sadd.s32 $0x6100, s28  }
0x9a: {  	[tilespmem:s3], [sflag:$0x5] =	stream.indirect_vreg.gather [hbm4b:s1+s2], $0x80, v3, vm0, $0x2000b8;
	[tilespmem:$0x14100] =	vst v63  }
0x9b: {  	s31 =	sadd.s32 $0x6900, s28  }
0x9c: {  	[tilespmem:s31], [sflag:$0x5] =	stream.indirect_vreg.gather [hbm4b:s7+s2], $0x80, v3, vm0, $0x2000b8;
	[tilespmem:$0x14100] =	vst v63  }
0x9d: {  	s3 =	sadd.s32 $0x7100, s28  }
0x9e: {  	[tilespmem:s3], [sflag:$0x5] =	stream.indirect_vreg.gather [hbm4b:s8+s2], $0x80, v3, vm0, $0x2000b8;
	[tilespmem:$0x14100] =	vst v63  }
0x9f: {  	s31 =	sadd.s32 $0x7900, s28;
	s3 =	sor.u32 $0x20, s30  }
0xa0: {  	[tilespmem:s31], [sflag:$0x5] =	stream.indirect_vreg.gather [hbm4b:s9+s2], $0x80, v3, vm0, $0x2000b8;
	[tilespmem:$0x14100] =	vst v63  }
0xa1: {  	v3 =	vld.msk [tilespmem:s3+$0x0], $0xff;
	_ =	sdelay $0x4  }
0xa2: {  	v63 =	vshll.u32 v3, $0x3  }
0xa3: {  	v3 =	vand.u32 $0x7, v3;
	v4 =	vand.u32 $0xFFFFFFC0, v63  }
0xa4: {  	v3 =	vor.u32 v3, v4  }
0xa5: {  	v3 =	vperm.xlane v3, v0;
	_ =	sdelay $0x1  }
0xa6: {  	v3 =	vadd.s32 v1, v3  }
0xa7: {  	s26 =	smov.u32 s16;
	s16 =	smov.u32 s20;
	s20 =	sadd.s32 $0xFFFFFFFF, s20  }
0xa8: {  	s29 =	smov.u32 s15;
	p2 =	sne.s32 s20, $0x0  }
0xa9: {  	s15 =	smov.u32 s21;
	p5 =	sne.s32 s16, $0x1;
	p6 =	seq.s32 s26, $0x1  }
0xaa: {  	s21 =	sadd.s32 $0x1, s21;
	p6 =	por p6, p3;
	s3 =	sadd.s32 $0x8100, s28  }
0xab: {  	[tilespmem:s3], [sflag:$0x5] =	stream.indirect_vreg.gather [hbm4b:s1+s2], $0x80, v3, vm0, $0x2000b8;
	[tilespmem:$0x14100] =	vst v63  }
0xac: {  	p0 =	por p1, p1;
	p4 =	sne.s32 s26, $0x28;
	s31 =	sadd.s32 $0x8900, s28  }
0xad: {  	[tilespmem:s31], [sflag:$0x5] =	stream.indirect_vreg.gather [hbm4b:s7+s2], $0x80, v3, vm0, $0x2000b8;
	[tilespmem:$0x14100] =	vst v63  }
0xae: {  	s0 =	sadd.s32 s5, s29;
	s29 =	simm.s32 $0x1;
	s31 =	sadd.s32 $0x9100, s28  }
0xaf: {  	[tilespmem:s31], [sflag:$0x5] =	stream.indirect_vreg.gather [hbm4b:s8+s2], $0x80, v3, vm0, $0x2000b8;
	[tilespmem:$0x14100] =	vst v63  }
0xb0: {  	p1 =	seq.s32 s16, $0x28;
	s29 =	simm.s32 @!p4 $0x0;
	s31 =	sadd.s32 $0x9900, s28  }
0xb1: {  	[tilespmem:s31], [sflag:$0x5] =	stream.indirect_vreg.gather [hbm4b:s9+s2], $0x80, v3, vm0, $0x2000b8;
	[tilespmem:$0x14100] =	vst v63  }
.Ltmp0:
0xb2: {  	p4 =	seq.s32 s21, $0x28;
	_ =	swait.ge [sflag:s12], $0xA000;
	(pc) =	sbr.rel @p2 .LBB2_2-.Ltmp0, $4  }
0xb3: {  	s24 =	sadd.s32 s29, s24;
	s21 =	simm.s32 @p4 $0x0;
	[sflag:s12] =	ssyncset.done $0x0  }
0xb4: {  	s29 =	smul.u32 @p6 $0xA000, s0;
	p4 =	sne.s32 s15, s21;
	[sflag:s12] =	ssyncadd.s32 $0xFFFF6000  }
0xb5: {  	p5 =	por !p5, !p4;
	s30 =	simm.s32 $0x1;
	_ =	strace $0x9000004B  }
0xb6: {  	s30 =	simm.s32 @!p6 $0x0;
	s28 =	sand.u32 @!p1 $0x1, s24;
	_ =	strace @p6 $0x8000004C  }
0xb7: {  	s0 =	rddreg [dreg:$0x3];
	s3 =	sshrl.u32 @p6 s29, $0x3  }
0xb8: {  	s18 =	sadd.s32 @p6 $0x3, s18;
	s0 =	sadd.s32 @p6 s0, s3;
	s3 =	simm.s32 @p6 $0x0  }
0xb9: {  	[hbm4b:s0+s3] =	stream.linear.scatter @p6 [tilespmem:s23], [sflag:s18], $0xA000, $0x200038;
	[tilespmem:$0x14100] =	vst v63  }
0xba: {  	_ =	strace @p6 $0x9000004C  }
0xbb: {  	s0 =	sadd.s32 @!p0 $0x3, s22;
	_ =	strace @!p0 $0x8000004D  }
0xbc: {  	p2 =	por !p5, !p5;
	s31 =	sadd.s32 s30, s25;
	_ =	swait.ge @!p0 [sflag:s0], $0xA000  }
0xbd: {  	s17 =	sand.u32 @p2 $0x1, s17;
	s18 =	sadd.s32 @p2 s5, s21;
	[sflag:s0] =	ssyncset.done @!p0 $0x0  }
0xbe: {  	s20 =	sshll.u32 @p2 s17, $0x7;
	s18 =	sshll.u32 @p2 s18, $0x4;
	[sflag:s0] =	ssyncadd.s32 @!p0 $0xFFFF6000  }
0xbf: {  	s17 =	sadd.s32 @p2 $0x1, s17;
	s18 =	sand.u32 @p2 $0x1FFFFFF0, s18;
	_ =	strace @!p0 $0x9000004D  }
0xc0: {  	s18 =	sadd.s32 @p2 s4, s18;
	s0 =	simm.s32 @p2 $0x0;
	_ =	strace @p2 $0x80000049  }
0xc1: {  	[tilespmem:s20], [sflag:s17] =	stream.linear.gather @p2 [hbm4b:s18+s0], $0x80, $0x200038;
	[tilespmem:$0x14100] =	vst v63  }
0xc2: {  	s17 =	sand.u32 $0x1, s31;
	_ =	strace @p2 $0x90000049  }
0xc3: {  	s0 =	sadd.s32 $0x1, s17;
	_ =	strace $0x8000004A  }
0xc4: {  	_ =	swait.ge [sflag:s0], $0x80  }
0xc5: {  	[sflag:s0] =	ssyncset.done $0x0  }
0xc6: {  	[sflag:s0] =	ssyncadd.s32 $0xFFFFFF80  }
0xc7: {  	s18 =	sshll.u32 s31, $0x7;
	_ =	strace $0x9000004A  }
0xc8: {  	s0 =	sand.u32 $0x80, s18;
	_ =	strace $0x8000004B  }
0xc9: {  	v3 =	vld [tilespmem:s0+$0x0];
	_ =	sdelay $0x4  }
0xca: {  	v4 =	vshll.u32 v3, $0x3  }
0xcb: {  	v3 =	vand.u32 $0x7, v3;
	v4 =	vand.u32 $0xFFFFFFC0, v4  }
0xcc: {  	v3 =	vor.u32 v3, v4  }
0xcd: {  	v4 =	vperm.xlane v3, v0  }
0xce: {  	s20 =	sadd.s32 s30, s19  }
0xcf: {  	s17 =	sand.u32 $0x1, s20;
	v4 =	vadd.s32 v1, v4  }
0xd0: {  	s3 =	smul.u32 $0x28000, s17;
	_ =	sdelay $0x1  }
0xd1: {  	s3 =	sshrl.u32 s3, $0x2  }
0xd2: {  	s18 =	sor.u32 $0x100, s3  }
0xd3: {  	[tilespmem:s18], [sflag:$0x5] =	stream.indirect_vreg.gather [hbm4b:s1+s2], $0x80, v4, vm0, $0x2000b8;
	[tilespmem:$0x14100] =	vst v63  }
0xd4: {  	s21 =	sor.u32 $0x900, s3;
	v3 =	vperm.xlane v3, v2  }
0xd5: {  	[tilespmem:s21], [sflag:$0x5] =	stream.indirect_vreg.gather [hbm4b:s7+s2], $0x80, v4, vm0, $0x2000b8;
	[tilespmem:$0x14100] =	vst v63  }
0xd6: {  	s22 =	sor.u32 $0x1100, s3;
	v3 =	vadd.s32 v1, v3  }
0xd7: {  	[tilespmem:s22], [sflag:$0x5] =	stream.indirect_vreg.gather [hbm4b:s8+s2], $0x80, v4, vm0, $0x2000b8;
	[tilespmem:$0x14100] =	vst v63  }
0xd8: {  	s23 =	sor.u32 $0x1900, s3  }
0xd9: {  	[tilespmem:s23], [sflag:$0x5] =	stream.indirect_vreg.gather [hbm4b:s9+s2], $0x80, v4, vm0, $0x2000b8;
	[tilespmem:$0x14100] =	vst v63  }
0xda: {  	s24 =	sadd.s32 $0x2100, s3  }
0xdb: {  	[tilespmem:s24], [sflag:$0x5] =	stream.indirect_vreg.gather [hbm4b:s1+s2], $0x80, v3, vm0, $0x2000b8;
	[tilespmem:$0x14100] =	vst v63  }
0xdc: {  	s25 =	sadd.s32 $0x2900, s3  }
0xdd: {  	[tilespmem:s25], [sflag:$0x5] =	stream.indirect_vreg.gather [hbm4b:s7+s2], $0x80, v3, vm0, $0x2000b8;
	[tilespmem:$0x14100] =	vst v63  }
0xde: {  	s26 =	sadd.s32 $0x3100, s3  }
0xdf: {  	[tilespmem:s26], [sflag:$0x5] =	stream.indirect_vreg.gather [hbm4b:s8+s2], $0x80, v3, vm0, $0x2000b8;
	[tilespmem:$0x14100] =	vst v63  }
0xe0: {  	s29 =	sadd.s32 $0x3900, s3  }
0xe1: {  	[tilespmem:s29], [sflag:$0x5] =	stream.indirect_vreg.gather [hbm4b:s9+s2], $0x80, v3, vm0, $0x2000b8;
	[tilespmem:$0x14100] =	vst v63  }
0xe2: {  	v3 =	vld [tilespmem:s0+$0x10];
	_ =	sdelay $0x4  }
0xe3: {  	v62 =	vshll.u32 v3, $0x3  }
0xe4: {  	v3 =	vand.u32 $0x7, v3;
	v4 =	vand.u32 $0xFFFFFFC0, v62  }
0xe5: {  	v3 =	vor.u32 v3, v4  }
0xe6: {  	v4 =	vperm.xlane v3, v0;
	_ =	sdelay $0x1  }
0xe7: {  	v4 =	vadd.s32 v1, v4;
	_ =	sdelay $0x3  }
0xe8: {  	s30 =	sadd.s32 $0x4100, s3  }
0xe9: {  	[tilespmem:s30], [sflag:$0x5] =	stream.indirect_vreg.gather [hbm4b:s1+s2], $0x80, v4, vm0, $0x2000b8;
	[tilespmem:$0x14100] =	vst v63  }
0xea: {  	s31 =	sadd.s32 $0x4900, s3;
	v3 =	vperm.xlane v3, v2  }
0xeb: {  	[tilespmem:s31], [sflag:$0x5] =	stream.indirect_vreg.gather [hbm4b:s7+s2], $0x80, v4, vm0, $0x2000b8;
	[tilespmem:$0x14100] =	vst v63  }
0xec: {  	s20 =	sadd.s32 $0x5100, s3;
	v3 =	vadd.s32 v1, v3  }
0xed: {  	[tilespmem:s20], [sflag:$0x5] =	stream.indirect_vreg.gather [hbm4b:s8+s2], $0x80, v4, vm0, $0x2000b8;
	[tilespmem:$0x14100] =	vst v63  }
0xee: {  	s21 =	sadd.s32 $0x5900, s3  }
0xef: {  	[tilespmem:s21], [sflag:$0x5] =	stream.indirect_vreg.gather [hbm4b:s9+s2], $0x80, v4, vm0, $0x2000b8;
	[tilespmem:$0x14100] =	vst v63  }
0xf0: {  	s22 =	sadd.s32 $0x6100, s3  }
0xf1: {  	[tilespmem:s22], [sflag:$0x5] =	stream.indirect_vreg.gather [hbm4b:s1+s2], $0x80, v3, vm0, $0x2000b8;
	[tilespmem:$0x14100] =	vst v63  }
0xf2: {  	s23 =	sadd.s32 $0x6900, s3  }
0xf3: {  	[tilespmem:s23], [sflag:$0x5] =	stream.indirect_vreg.gather [hbm4b:s7+s2], $0x80, v3, vm0, $0x2000b8;
	[tilespmem:$0x14100] =	vst v63  }
0xf4: {  	s24 =	sadd.s32 $0x7100, s3  }
0xf5: {  	[tilespmem:s24], [sflag:$0x5] =	stream.indirect_vreg.gather [hbm4b:s8+s2], $0x80, v3, vm0, $0x2000b8;
	[tilespmem:$0x14100] =	vst v63  }
0xf6: {  	s25 =	sadd.s32 $0x7900, s3;
	s0 =	sor.u32 $0x20, s0  }
0xf7: {  	[tilespmem:s25], [sflag:$0x5] =	stream.indirect_vreg.gather [hbm4b:s9+s2], $0x80, v3, vm0, $0x2000b8;
	[tilespmem:$0x14100] =	vst v63  }
0xf8: {  	v3 =	vld.msk [tilespmem:s0+$0x0], $0xff;
	_ =	sdelay $0x4  }
0xf9: {  	v63 =	vshll.u32 v3, $0x3  }
0xfa: {  	v3 =	vand.u32 $0x7, v3;
	v4 =	vand.u32 $0xFFFFFFC0, v63  }
0xfb: {  	v3 =	vor.u32 v3, v4  }
0xfc: {  	v3 =	vperm.xlane v3, v0;
	_ =	sdelay $0x1  }
0xfd: {  	v3 =	vadd.s32 v1, v3;
	_ =	sdelay $0x3  }
0xfe: {  	s26 =	sadd.s32 $0x8100, s3  }
0xff: {  	[tilespmem:s26], [sflag:$0x5] =	stream.indirect_vreg.gather [hbm4b:s1+s2], $0x80, v3, vm0, $0x2000b8;
	[tilespmem:$0x14100] =	vst v63  }
0x100: {  	s29 =	sadd.s32 $0x8900, s3  }
0x101: {  	[tilespmem:s29], [sflag:$0x5] =	stream.indirect_vreg.gather [hbm4b:s7+s2], $0x80, v3, vm0, $0x2000b8;
	[tilespmem:$0x14100] =	vst v63  }
0x102: {  	s30 =	sadd.s32 $0x9100, s3  }
0x103: {  	[tilespmem:s30], [sflag:$0x5] =	stream.indirect_vreg.gather [hbm4b:s8+s2], $0x80, v3, vm0, $0x2000b8;
	[tilespmem:$0x14100] =	vst v63  }
0x104: {  	s31 =	sadd.s32 $0x9900, s3  }
0x105: {  	[tilespmem:s31], [sflag:$0x5] =	stream.indirect_vreg.gather [hbm4b:s9+s2], $0x80, v3, vm0, $0x2000b8;
	[tilespmem:$0x14100] =	vst v63  }
0x106: {  	_ =	swait.ge [sflag:s12], $0xA000  }
0x107: {  	p5 =	por p4, p4;
	p6 =	seq.s32 s16, $0x1;
	[sflag:s12] =	ssyncset.done $0x0  }
0x108: {  	p0 =	por p6, p5;
	s0 =	sadd.s32 s5, s15;
	[sflag:s12] =	ssyncadd.s32 $0xFFFF6000  }
0x109: {  	s0 =	smul.u32 @p0 $0xA000, s0;
	_ =	strace $0x9000004B  }
0x10a: {  	_ =	strace @p0 $0x8000004C  }
0x10b: {  	s0 =	sshrl.u32 @p0 s0, $0x3;
	s3 =	rddreg [dreg:$0x3]  }
0x10c: {  	s15 =	sadd.s32 @p0 $0x3, s17;
	s0 =	sadd.s32 @p0 s3, s0;
	s3 =	simm.s32 @p0 $0x0  }
0x10d: {  	[hbm4b:s0+s3] =	stream.linear.scatter @p0 [tilespmem:s18], [sflag:s15], $0xA000, $0x200038;
	[tilespmem:$0x14100] =	vst v63  }
0x10e: {  	p1 =	por p1, p1;
	_ =	strace @p0 $0x9000004C  }
0x10f: {  	s0 =	sadd.s32 @!p1 $0x3, s28;
	_ =	strace @!p1 $0x8000004D  }
0x110: {  	_ =	swait.ge @!p1 [sflag:s0], $0xA000  }
0x111: {  	[sflag:s0] =	ssyncset.done @!p1 $0x0  }
0x112: {  	s14 =	sadd.s32 $0x1, s14;
	[sflag:s0] =	ssyncadd.s32 @!p1 $0xFFFF6000  }
0x113: {  	p0 =	sne.s32 s14, s10;
	_ =	strace @!p1 $0x9000004D  }
.Ltmp1:
0x114: {  	_ =	strace $0x8000004E;
	(pc) =	sbr.rel @p0 .LBB2_1-.Ltmp1, $4  }
0x115: {  	_ =	swait.ge [sflag:s13], $0xA000  }
0x116: {  	[sflag:s13] =	ssyncset.done $0x0  }
0x117: {  	[sflag:s13] =	ssyncadd.s32 $0xFFFF6000  }
0x118: {  	_ =	strace $0x9000004E  }
0x119: {  	_ =	sfence.sel $0x180000  }
0x11a: {  	[bflag:$0x0] =	sbarrier.arrive $0xFFFF  }
0x11b: {  	_ =	strace $0x90000047  }
0x11c: {  	s0 =	stileid.u32;
	[bflag:$0x2] =	sbarrier.arrive $0xFFFF  }
0x11d: {  	p0 =	sne.s32 s0, $0x0;
	s0 =	rddreg [dreg:$0x2]  }
0x11e: {  	s0 =	sadd.s32 @!p0 $0x100000, s0  }
0x11f: {  	[sflag:s0] =	ssyncadd.tile.s32 @!p0 $0x1;
	_ =	shalt  }
.Lfunc_end2:
_tile_overlayer_lowered:
.L_overlay_start_2:
0x120: {  	(tag) =	ssettag $0x2  }
0x121: {  	s0 =	rddreg [dreg:$0x0];
	s2 =	stileid.u32  }
0x122: {  	s1 =	rddreg [dreg:$0x1];
	p0 =	sne.s32 s2, $0x0  }
0x123: {  	s3 =	rddreg [dreg:$0x2];
	[bflag:$0x3] =	sbarrier.arrive $0xFFFF;
	s2 =	simm.s32 @!p0 $0x1C01  }
0x124: {  	[timem:s3], [sflag:s2] =	dma.local @!p0 [hbm:s0], s1  }
0x125: {  	s0 =	simm.s32 @!p0 $0x1  }
0x126: {  	_ =	swait.ge @!p0 [sflag:s0], s1  }
0x127: {  	s1 =	ssub.s32 @!p0 $0x0, s1;
	[sflag:s0] =	ssyncset.done @!p0 $0x0  }
0x128: {  	[sflag:s0] =	ssyncadd.s32 @!p0 s1  }
0x129: {  	[bflag:$0x3] =	sbarrier.arrive $0xFFFF  }
0x12a: {  	_ =	shalt  }

// kernel: sparse-core-data-format-call.cloned.1.call-start
scs
called_computation_lowered:
.L_overlay_start_0:
0x0: {  	s2 =	sld [smem:$0x3FD9]  }
0x1: {  	s3 =	sld [smem:$0x3FFE];
	_ =	sdelay $0x1  }
0x2: {  	s1 =	srdreg.scid  }
0x3: {  	s0 =	sand.u32 $0x1, s1  }
0x4: {  	s18 =	sshll.u32 s0, $0xA;
	s2 =	sadd.s32 s3, s2  }
0x5: {  	s2 =	sadd.s32 s2, s18  }
0x6: {  	[smem:$0x3FC6] =	sst s2  }
0x7: {  	_ = 	snop  }
0x8: {  	s2 =	sld [smem:$0x3FD0];
	(tm) =	ssettm $0x1  }
0x9: {  	s19 =	sld [smem:$0x3FFB];
	_ =	sdelay $0x3  }
0xa: {  	_ =	strace s19  }
0xb: {  	s3 =	sld [smem:$0x3FFC];
	_ =	sdelay $0x3  }
0xc: {  	_ =	strace s3  }
0xd: {  	s3 =	sld [smem:$0x3FFD];
	_ =	sdelay $0x3  }
0xe: {  	_ =	strace s3  }
0xf: {  	_ =	strace $0x8FFFFFFF  }
0x10: {  	s20 =	sld [smem:$0x3FDB];
	_ =	sdelay $0x1  }
0x11: {  	s4 =	simm.s32 $_scs_section_size  }
0x12: {  	s5 =	simm.s32 $_size__tile_overlayer_lowered;
	s6 =	simm.s32 $_tile_overlayer_lowered  }
0x13: {  	s23 =	simm.s32 $0x1BFF;
	s22 =	sshll.u32 s6, $0x1;
	s3 =	sadd.s32 s4, s20  }
0x14: {  	s7 =	simm.s32 $0x0;
	s21 =	sshll.u32 s5, $0x1;
	s5 =	sadd.s32 s22, s3  }
0x15: {  	[timem:s7], [sflag:s23] =	dma.local [hbm:s5], s21  }
0x16: {  	_ =	swait.ge [sflag:s23], s21  }
0x17: {  	s4 =	ssub.s32 $0x0, s21;
	[sflag:s23] =	ssyncset.done $0x0  }
0x18: {  	[sflag:s23] =	ssyncadd.s32 s4;
	_ =	sdelay $0x1  }
0x19: {  	s24 =	simm.s32 $0x1B8B  }
0x1a: {  	_ =	swait.ge [sflag:s24], $0x1  }
0x1b: {  	[sflag:s24] =	ssyncset.done $0x0  }
0x1c: {  	s26 =	simm.s32 $0x1B8E;
	s25 =	sld [smem:$0x3FFE];
	[sflag:s24] =	ssyncadd.s32 $0xFFFFFFFF  }
0x1d: {  	s27 =	simm.s32 $execute0_lowered;
	[smem:$0x3FD2] =	sst s26  }
0x1e: {  	s5 =	sshll.u32 s27, $0x1;
	_ =	strace $0x80000050;
	[dreg:$0x1] =	wrdreg $0xFFFFFFFF  }
0x1f: {  	s28 =	simm.s32 $_size_execute0_lowered;
	s3 =	sadd.s32 s3, s5;
	[dreg:$0x0] =	wrdreg $0x0  }
0x20: {  	s5 =	sshll.u32 s28, $0x1;
	[dreg:$0x2] =	wrdreg s3  }
0x21: {  	[dreg:$0x3] =	wrdreg s5  }
0x22: {  	[dreg:$0x4] =	wrdreg $0xC0  }
0x23: {  	_ =	task [dreg:s7], $0x5FFFF  }
0x24: {  	[dreg:$0x1] =	wrdreg $0xFFFFFFFF  }
0x25: {  	[dreg:$0x0] =	wrdreg $0x60  }
0x26: {  	[dreg:$0x2] =	wrdreg s25  }
0x27: {  	[dreg:$0x3] =	wrdreg s2  }
0x28: {  	[dreg:$0x4] =	wrdreg $0x9  }
0x29: {  	_ =	task.clear_ibuf [dreg:s7], $0x5FFFF;
	_ =	strace $0x90000050  }
0x2a: {  	s29 =	simm.s32 $0x9;
	_ =	strace $0x80000052  }
0x2b: {  	_ =	swait.ge [sflag:s29], $0x1  }
0x2c: {  	[sflag:s29] =	ssyncadd.s32 $0xFFFFFFFF  }
0x2d: {  	_ =	strace $0x90000052  }
0x2e: {  	_ =	sfence  }
0x2f: {  	s30 =	sld [smem:$0x0];
	_ =	sdelay $0x2  }
0x30: {  	s31 =	sshll.u32 s1, $0xD;
	s1 =	sshrl.u32 s1, $0x2  }
0x31: {  	s3 =	sand.u32 $0x4000, s31;
	s1 =	sadd.s32 s1, s30  }
0x32: {  	s0 =	sor.u32 s3, s0;
	s1 =	sshll.u32 s1, $0x11  }
0x33: {  	s0 =	sor.u32 s1, s0  }
0x34: {  	s0 =	sadd.s32 $0x8F2B, s0  }
0x35: {  	[sflag:s0] =	ssyncadd.remote.s32 $0x1  }
0x36: {  	_ =	sfence.sel $0xFFFF  }
0x37: {  	[dreg:$0x0] =	wrdreg $0xFFFFFFFF;
	(pc) =	sbr.abs _section_cstart, $3  }
0x38: {  	[dreg:$0x1] =	wrdreg $0xFFFFFFFF  }
0x39: {  	_ =	task.clear_ibuf [dreg:s7], $0x2FFFF;
	_ =	strace $0x9FFFFFFF  }
0x3a: {  	(tm) =	ssettm $0x7FFFFFFF  }
0x3b: {  	_ =	shalt  }
tec
execute0_lowered:
.L_overlay_start_1:
0x0: {  	(tag) =	ssettag $0x1  }
0x1: {  	s4 =	rddreg [dreg:$0x0]  }
0x2: {  	s0 =	stileid.u32;
	s2 =	rddreg [dreg:$0x1]  }
0x3: {  	s7 =	srdreg.scid;
	s31 =	simm.s32 $0x2;
	s17 =	simm.s32 $0x0  }
0x4: {  	s9 =	simm.s32 $0x2000;
	s19 =	simm.s32 $0x0;
	s18 =	simm.s32 $0x0  }
0x5: {  	s10 =	simm.s32 $0x0;
	s11 =	simm.s32 $0x0;
	s1 =	sshll.u32 s0, $0x7  }
0x6: {  	s12 =	simm.s32 $0x0;
	s14 =	simm.s32 $0x0;
	s3 =	sand.u32 $0x380, s1  }
0x7: {  	s16 =	simm.s32 $0x0;
	s4 =	sadd.s32 $0x645800, s4;
	s5 =	ssub.s32 $0x400, s3  }
0x8: {  	s8 =	sshll.u32 s0, $0x4;
	s7 =	sshll.u32 s7, $0x8;
	s6 =	sand.u32 $0x380, s5  }
0x9: {  	s1 =	rddreg [dreg:$0x2];
	p0 =	sne.s32 s6, $0x0;
	s6 =	simm.s32 $0x1  }
.Ltmp0:
0xa: {  	s5 =	sshrl.u32 s5, $0xA;
	s6 =	simm.s32 @!p0 $0x0;
	(pc) =	sbr.rel .LBB1_1-.Ltmp0, $4  }
0xb: {  	_ =	strace $0x80000051;
	s7 =	sor.u32 s8, s7;
	s6 =	sadd.s32 s6, s5  }
0xc: {  	s7 =	sand.u32 $0x180, s7;
	s5 =	simm.s32 $0x1;
	s6 =	smul.u32 $0x64, s6  }
0xd: {  	s15 =	smov.u32 s3;
	s13 =	smov.u32 s7;
	[sflag:s5] =	ssyncpa.u1 $0x0  }
0xe: {  	p0 =	por $0x0, $0x0;
	[sflag:s31] =	ssyncpa.u1 $0x0;
	s8 =	sor.u32 $0x1, s6  }
.LBB1_4:
0xf: {  	s25 =	sshll.u32 s10, $0xA;
	s24 =	sshra.s32 s24, $0x2;
	s26 =	sshll.u32 s12, $0x3  }
0x10: {  	p1 =	sgt.s32 s11, $0x31;
	s27 =	smov.u32 s11;
	s28 =	sshra.s32 s11, $0x1F  }
0x11: {  	p2 =	sgt.s32 s12, $0x380;
	s31 =	sshra.s32 s12, $0x1F;
	s25 =	sand.u32 $0xFFFFE000, s25  }
0x12: {  	s26 =	sand.u32 $0xFFFFFC00, s26;
	s27 =	simm.s32 @!p1 $0x31;
	s28 =	sand.u32 s28, s11  }
0x13: {  	[tilespmem:s22+$0x2040 ss:$0x81] =	vst.msk $0xffff, v4;
	s23 =	sadd.s32 s24, s23;
	s29 =	sadd.s32 s26, s25;
	s25 =	ssub.s32 s27, s28  }
0x14: {  	[tilespmem:s22+$0x2850 ss:$0x81] =	vst.msk $0xffff, v3;
	s27 =	smov.u32 s12;
	s28 =	smov.u32 s10;
	s26 =	sand.u32 s31, s12  }
0x15: {  	[tilespmem:s22+$0x3060 ss:$0x81] =	vst.msk $0xffff, v2;
	s24 =	sshrl.u32 s29, $0xA;
	s30 =	sadd.s32 $0xFFFFFFCF, s25;
	s27 =	simm.s32 @!p2 $0x380  }
0x16: {  	v5 =	vld [tilespmem:s21+$0xFFFFFFD0];
	[tilespmem:s22+$0x0 ss:$0x81] =	vst.msk $0xffff, v1;
	p2 =	sgt.s32 s10, $0x368;
	s29 =	sshra.s32 s10, $0x1F;
	s22 =	ssub.s32 $0x32, s25  }
0x17: {  	v58 =	vld [tilespmem:s21+$0xFFFFFFE0];
	p1 =	sgt.s32 s30, $0x0;
	s28 =	simm.s32 @!p2 $0x368;
	s29 =	sand.u32 s29, s10  }
0x18: {  	v59 =	vld [tilespmem:s21+$0xFFFFFFF0];
	s26 =	ssub.s32 s27, s26;
	s27 =	smulhi.u32 $0x418938, s24;
	s28 =	ssub.s32 s28, s29  }
0x19: {  	v60 =	vld [tilespmem:s21+$0x0];
	s30 =	sadd.s32 $0xFFFFFC80, s26;
	s25 =	ssub.s32 $0x400, s26;
	s22 =	simm.s32 @p1 $0x0  }
0x1a: {  	v61 =	vld [tilespmem:s21+$0x10];
	[tilespmem:s23+$0x3870 ss:$0x81] =	vst.msk $0xffff, v0;
	s29 =	sand.u32 $0x78, s12;
	p2 =	sgt.s32 s30, $0x7F;
	s31 =	sadd.s32 $0xFFFFFC98, s28  }
0x1b: {  	v62 =	vld [tilespmem:s21+$0x20];
	[tilespmem:s23+$0x810 ss:$0x81] =	vst.msk $0xffff, v5;
	s27 =	smul.u32 $0x3E8, s27;
	s30 =	sshll.u32 s10, $0x7;
	s28 =	ssub.s32 $0x3E8, s28  }
0x1c: {  	v63 =	vld [tilespmem:s21+$0xFFFFFFC0];
	[tilespmem:s23+$0x1020 ss:$0x81] =	vst.msk $0xffff, v58;
	s25 =	simm.s32 @p2 $0x0;
	p1 =	sgt.s32 s31, $0x7F;
	s31 =	smul.u32 $0x1F400, s11  }
0x1d: {  	[tilespmem:s23+$0x1830 ss:$0x81] =	vst.msk $0xffff, v59;
	s21 =	sand.u32 $0x380, s30;
	s22 =	smul.u32 s25, s22;
	s28 =	simm.s32 @p1 $0x0  }
0x1e: {  	[tilespmem:s23+$0x2040 ss:$0x81] =	vst.msk $0xffff, v60;
	s21 =	sor.u32 s29, s21;
	s24 =	ssub.s32 s24, s27;
	s29 =	sand.u32 $0x7, s12  }
0x1f: {  	[tilespmem:s23+$0x2850 ss:$0x81] =	vst.msk $0xffff, v61;
	s21 =	sshrl.u32 s21, $0x3;
	s25 =	sadd.s32 s2, s31;
	s22 =	smul.u32 s28, s22  }
0x20: {  	[tilespmem:s23+$0x3060 ss:$0x81] =	vst.msk $0xffff, v62;
	s24 =	sshll.u32 s24, $0x7;
	s30 =	sshll.u32 s29, $0x12;
	s21 =	sadd.s32 s21, s25  }
0x21: {  	[tilespmem:s23+$0x0 ss:$0x81] =	vst.msk $0xffff, v63;
	s31 =	sor.u32 $0x400, s30;
	s21 =	sadd.s32 s24, s21;
	s22 =	sand.u32 $0x3FFFFFFF, s22  }
0x22: {  	[hbm4b:s21+s31] =	stream.strided.scatter [tilespmem:s20], [sflag:$0x2], s22, s9, s31, $0x20;
	[tilespmem:$0x10100] =	vst v63  }
.LBB1_5:
0x23: {  	p1 =	slt.u32 s16, $0x2  }
0x24: {  	p2 =	sgt.s32 @!p1 s19, $0x31  }
0x25: {  	s20 =	smov.u32 s19;
	s21 =	sshra.s32 @!p1 s19, $0x1F;
	p2 =	por !p2, p1  }
0x26: {  	s19 =	sand.u32 @!p1 s21, s19;
	s20 =	simm.s32 @p2 $0x31  }
0x27: {  	p3 =	sgt.s32 @!p1 s17, $0x368;
	s19 =	ssub.s32 @!p1 s20, s19  }
0x28: {  	p4 =	sgt.s32 @!p1 s18, $0x380;
	s22 =	sshra.s32 @!p1 s18, $0x1F;
	s20 =	sadd.s32 @!p1 $0xFFFFFFCF, s19  }
0x29: {  	s21 =	smov.u32 s17;
	p2 =	sgt.s32 @!p1 s20, $0x0;
	s20 =	sshra.s32 @!p1 s17, $0x1F  }
0x2a: {  	p4 =	por !p4, p1;
	s17 =	sand.u32 @!p1 s20, s17;
	s20 =	smov.u32 s18  }
0x2b: {  	p3 =	por !p3, p1;
	s18 =	sand.u32 @!p1 s22, s18;
	s20 =	simm.s32 @p4 $0x380  }
0x2c: {  	s21 =	simm.s32 @p3 $0x368;
	s19 =	ssub.s32 @!p1 $0x32, s19;
	s18 =	ssub.s32 @!p1 s20, s18  }
0x2d: {  	p2 =	por !p2, p1;
	s17 =	ssub.s32 @!p1 s21, s17;
	s21 =	sadd.s32 @!p1 $0xFFFFFC80, s18  }
0x2e: {  	s19 =	simm.s32 @!p2 $0x0;
	p3 =	sgt.s32 @!p1 s21, $0x7F  }
0x2f: {  	s20 =	sadd.s32 @!p1 $0xFFFFFC98, s17;
	s18 =	ssub.s32 @!p1 $0x400, s18;
	p3 =	por !p3, p1  }
0x30: {  	p2 =	sgt.s32 @!p1 s20, $0x7F;
	s20 =	sadd.s32 $0x200, s13;
	s18 =	simm.s32 @!p3 $0x0  }
0x31: {  	p3 =	sgt.s32 s20, $0x3E7;
	s18 =	smul.u32 @!p1 s18, s19;
	s19 =	simm.s32 $0x1  }
0x32: {  	s17 =	ssub.s32 @!p1 $0x3E8, s17;
	p2 =	por !p2, p1;
	s19 =	simm.s32 @!p3 $0x0  }
0x33: {  	s22 =	smov.u32 s15;
	s17 =	simm.s32 @!p2 $0x0;
	s21 =	sadd.s32 s19, s14  }
0x34: {  	s17 =	smul.u32 @!p1 s17, s18;
	s18 =	sadd.s32 $0x400, s15;
	p2 =	sgt.s32 s21, $0x31  }
0x35: {  	p0 =	por !p0, !p0;
	s23 =	simm.s32 @!p1 $0x2;
	s22 =	smov.u32 @p2 s18  }
0x36: {  	s20 =	smov.u32 @p3 s7;
	s21 =	simm.s32 @p2 $0x0;
	p2 =	sgt.s32 s22, $0x3FF  }
0x37: {  	s19 =	smov.u32 s11;
	s22 =	smov.u32 @p2 s3;
	p2 =	sne.s32 s16, s8  }
.Ltmp1:
0x38: {  	s11 =	smov.u32 s14;
	s17 =	sand.u32 @!p1 $0x3FFFFFFF, s17;
	(pc) =	sbr.rel @!p2 .LBB1_6-.Ltmp1, $4  }
0x39: {  	s18 =	smov.u32 s12;
	s12 =	smov.u32 s15;
	_ =	swait.ge @!p1 [sflag:s23], s17  }
0x3a: {  	s24 =	ssub.s32 @!p1 $0x0, s17;
	s17 =	smov.u32 s10;
	s10 =	smov.u32 s13  }
0x3b: {  	s13 =	smov.u32 s20;
	s14 =	smov.u32 s21;
	[sflag:s23] =	ssyncset.done @!p1 $0x0  }
0x3c: {  	s16 =	sadd.s32 $0x1, s16;
	[sflag:s23] =	ssyncadd.s32 @!p1 s24;
	s15 =	smov.u32 s22  }
.LBB1_1:
0x3d: {  	p1 =	sge.u32 s16, s6  }
0x3e: {  	s20 =	sshll.u32 @!p1 s14, $0xA  }
0x3f: {  	s21 =	sshll.u32 @!p1 s13, $0x3;
	s20 =	sand.u32 @!p1 $0xFFFFE000, s20  }
0x40: {  	s20 =	sadd.s32 @!p1 s20, s21  }
0x41: {  	s20 =	sshrl.u32 @!p1 s20, $0xA  }
0x42: {  	s21 =	smulhi.u32 @!p1 $0x4924925, s20  }
0x43: {  	s22 =	sshll.u32 @!p1 s14, $0x7;
	s24 =	smul.u32 @!p1 $0x1C00, s15  }
0x44: {  	s23 =	sand.u32 @!p1 $0x78, s13;
	s22 =	sand.u32 @!p1 $0x380, s22;
	s21 =	smul.u32 @!p1 $0x38, s21  }
0x45: {  	s31 =	sadd.s32 $0xFFFFFFFF, s16;
	s22 =	sor.u32 @!p1 s23, s22;
	s23 =	sadd.s32 @!p1 s4, s24  }
0x46: {  	s22 =	sshrl.u32 @!p1 s22, $0x3;
	s20 =	ssub.s32 @!p1 s20, s21;
	s21 =	sxor.u32 @!p1 $0xFFFFFFFF, s16  }
0x47: {  	s22 =	sadd.s32 @!p1 s22, s23;
	s23 =	sand.u32 @!p1 $0x7, s13;
	s21 =	sshll.u32 @!p1 s21, $0xE  }
0x48: {  	s23 =	sshll.u32 @!p1 s23, $0x12;
	s20 =	sshll.u32 @!p1 s20, $0x7;
	s21 =	sand.u32 @!p1 $0x4000, s21  }
0x49: {  	s20 =	sadd.s32 @!p1 s20, s22;
	s22 =	sor.u32 @!p1 $0x80, s23;
	s23 =	simm.s32 @!p1 $0xE000  }
0x4a: {  	[tilespmem:s21], [sflag:$0x1] =	stream.strided.gather @!p1 [hbm4b:s20+s22], $0x4000, s23, s22, $0x38;
	[tilespmem:$0x10100] =	vst v63  }
0x4b: {  	p1 =	sge.u32 s31, s6  }
.Ltmp2:
0x4c: {  	_ = 	snop;
	(pc) =	sbr.rel @p1 .LBB1_5-.Ltmp2, $1  }
0x4d: {  	_ =	sdelay $0x3  }
0x4e: {  	s20 =	simm.s32 $0x1  }
0x4f: {  	_ =	swait.ge [sflag:s5], $0x4000;
	s20 =	simm.s32 @!p0 $0x0  }
0x50: {  	[sflag:s5] =	ssyncset.done $0x0;
	s21 =	sshll.u32 s20, $0xE  }
0x51: {  	[sflag:s5] =	ssyncadd.s32 $0xFFFFC000;
	s21 =	sor.u32 $0x40, s21  }
0x52: {  	s20 =	smul.u32 $0x10200, s20;
	v0 =	vld [tilespmem:s21+$0x30]  }
0x53: {  	v1 =	vld [tilespmem:s21+$0xFFFFFFD0]  }
0x54: {  	s20 =	sshrl.u32 s20, $0x2;
	v5 =	vld [tilespmem:s21+$0xFFFFFFE0]  }
0x55: {  	v6 =	vld [tilespmem:s21+$0xFFFFFFF0];
	s23 =	sor.u32 $0x8000, s20  }
0x56: {  	s31 =	sand.u32 $0x1, s16;
	v4 =	vld [tilespmem:s21+$0x0];
	s22 =	sadd.s32 $0x0, s23  }
0x57: {  	v3 =	vld [tilespmem:s21+$0x10];
	s20 =	smul.u32 $0x10200, s31;
	[tilespmem:s22+$0x3870 ss:$0x81] =	vst.msk $0xffff, v0  }
0x58: {  	v2 =	vld [tilespmem:s21+$0x20];
	[tilespmem:s22+$0x810 ss:$0x81] =	vst.msk $0xffff, v1  }
0x59: {  	s20 =	sshrl.u32 s20, $0x2;
	v1 =	vld [tilespmem:s21+$0xFFFFFFC0];
	[tilespmem:s22+$0x1020 ss:$0x81] =	vst.msk $0xffff, v5;
	s21 =	sadd.s32 $0x80, s21  }
0x5a: {  	s24 =	simm.s32 $0x4;
	s25 =	simm.s32 $0x8;
	s20 =	sor.u32 $0x8000, s20;
	[tilespmem:s22+$0x1830 ss:$0x81] =	vst.msk $0xffff, v6;
	v0 =	vld [tilespmem:s21+$0x30]  }
.LBB1_3:
0x5b: {  	p1 =	sne.s32 s25, $0x1FC;
	v5 =	vld [tilespmem:s21+$0xFFFFFFD0];
	[tilespmem:s22+$0x2040 ss:$0x81] =	vst.msk $0xffff, v4  }
0x5c: {  	v6 =	vld [tilespmem:s21+$0xFFFFFFE0];
	[tilespmem:s22+$0x2850 ss:$0x81] =	vst.msk $0xffff, v3  }
0x5d: {  	s26 =	sshra.s32 s24, $0x2;
	s24 =	smov.u32 s25;
	v7 =	vld [tilespmem:s21+$0xFFFFFFF0];
	[tilespmem:s22+$0x3060 ss:$0x81] =	vst.msk $0xffff, v2  }
.Ltmp3:
0x5e: {  	v4 =	vld [tilespmem:s21+$0x0];
	[tilespmem:s22+$0x0 ss:$0x81] =	vst.msk $0xffff, v1;
	s22 =	sadd.s32 s26, s23;
	(pc) =	sbr.rel @p1 .LBB1_3-.Ltmp3, $4  }
0x5f: {  	v3 =	vld [tilespmem:s21+$0x10];
	[tilespmem:s22+$0x3870 ss:$0x81] =	vst.msk $0xffff, v0  }
0x60: {  	[tilespmem:s22+$0x810 ss:$0x81] =	vst.msk $0xffff, v5;
	v2 =	vld [tilespmem:s21+$0x20]  }
0x61: {  	v1 =	vld [tilespmem:s21+$0xFFFFFFC0];
	[tilespmem:s22+$0x1020 ss:$0x81] =	vst.msk $0xffff, v6;
	s21 =	sadd.s32 $0x80, s21  }
0x62: {  	s25 =	sadd.s32 $0x4, s25;
	v0 =	vld [tilespmem:s21+$0x30];
	[tilespmem:s22+$0x1830 ss:$0x81] =	vst.msk $0xffff, v7  }
.Ltmp4:
0x63: {  	_ = 	snop;
	(pc) =	sbr.rel .LBB1_4-.Ltmp4, $1  }
0x64: {  	_ =	sdelay $0x3  }
.LBB1_6:
0x65: {  	_ =	sfence.sel $0x180000  }
0x66: {  	s2 =	simm.s32 $0x1;
	[bflag:$0x0] =	sbarrier.arrive $0xFFFF  }
0x67: {  	s31 =	simm.s32 $0x2;
	[sflag:s2] =	ssyncpa.u1 $0x1  }
0x68: {  	[sflag:s31] =	ssyncpa.u1 $0x1  }
0x69: {  	p0 =	sne.s32 s0, $0x0;
	_ =	strace $0x90000051  }
0x6a: {  	s0 =	sadd.s32 @!p0 $0x100000, s1;
	[bflag:$0x2] =	sbarrier.arrive $0xFFFF  }
0x6b: {  	[sflag:s0] =	ssyncadd.tile.s32 @!p0 $0x1;
	_ =	shalt  }
.Lfunc_end1:
_tile_overlayer_lowered:
.L_overlay_start_2:
0x6c: {  	(tag) =	ssettag $0x2  }
0x6d: {  	s0 =	rddreg [dreg:$0x0];
	s2 =	stileid.u32  }
0x6e: {  	s1 =	rddreg [dreg:$0x1];
	p0 =	sne.s32 s2, $0x0  }
0x6f: {  	s3 =	rddreg [dreg:$0x2];
	[bflag:$0x3] =	sbarrier.arrive $0xFFFF;
	s2 =	simm.s32 @!p0 $0x1C01  }
0x70: {  	[timem:s3], [sflag:s2] =	dma.local @!p0 [hbm:s0], s1  }
0x71: {  	s0 =	simm.s32 @!p0 $0x1  }
0x72: {  	_ =	swait.ge @!p0 [sflag:s0], s1  }
0x73: {  	s1 =	ssub.s32 @!p0 $0x0, s1;
	[sflag:s0] =	ssyncset.done @!p0 $0x0  }
0x74: {  	[sflag:s0] =	ssyncadd.s32 @!p0 s1  }
0x75: {  	[bflag:$0x3] =	sbarrier.arrive $0xFFFF  }
0x76: {  	_ =	shalt  }

</sc_bundles>
